<compile_context>
chip_gen: v7x
topology: tpu7x:2x2x1
jax: 0.10.2.dev20260603
libtpu: 0.0.44.dev20260713+nightly
codegen_flags: <defaults>
</compile_context>

<pallas_src>
import functools

import jax
import jax.numpy as jnp
from jax import lax
from jax.experimental import pallas as pl
from jax.experimental.pallas import tpu as pltpu
from jax.experimental.pallas import tpu_sc as plsc

V = 1000000
D = 16
B = 16384
L = 50
N = B * L

NC = 2
NS = 16
NW = NC * NS
CB = 1024
NBC = B // CB
ITEMS = L * NBC
PER_W = ITEMS // NW


def _dequant_lookup(idx_hbm, w_hbm, scale_hbm, out_hbm,
                    ia_v, iqa_v, isa_v, ra_v, sca_v, suba_v,
                    ib_v, iqb_v, isb_v, rb_v, scb_v, subb_v,
                    scale_c, out_v, gsa, gsb, osem):
    wid = lax.axis_index("s") * NC + lax.axis_index("c")
    first = wid * PER_W

    iota = lax.iota(jnp.int32, 16)
    qiota = iota >> 2
    riota = iota & 3
    lsh = 24 - riota * 8

    gdims = lax.GatherDimensionNumbers(
        offset_dims=(), collapsed_slice_dims=(0,), start_index_map=(0,))

    def stage(item, idx_v, idxq_v, idxs_v, rows_v, scale_v, sub_v, gs):
        lrow = item >> 4
        bc = item & 15
        base = lrow * B + bc * CB
        pltpu.sync_copy(idx_hbm.at[pl.ds(base, CB)], idx_v)

        @plsc.parallel_loop(0, CB // 16, unroll=2)
        def _recidx(m):
            val = idx_v[pl.ds(m * 16, 16)]
            idxq_v[pl.ds(m * 16, 16)] = val >> 2
            idxs_v[pl.ds(m * 16, 16)] = val >> 4
            sub_v[pl.ds(m * 16, 16)] = (val & 3) << 2
        pltpu.async_copy(w_hbm.at[idxq_v], rows_v, gs)
        pltpu.async_copy(scale_hbm.at[idxs_v], scale_v, gs)

    def consume(item, idx_v, idxq_v, idxs_v, rows_v, scale_v, sub_v, gs):
        lrow = item >> 4
        bc = item & 15
        pltpu.make_async_copy(w_hbm.at[idxq_v], rows_v, gs).wait()
        pltpu.make_async_copy(scale_hbm.at[idxs_v], scale_v, gs).wait()

        @plsc.parallel_loop(0, CB // 16, unroll=2)
        def _scalesel(m):
            val = idx_v[pl.ds(m * 16, 16)]
            scale_c[pl.ds(m * 16, 16)] = plsc.load_gather(
                scale_v, [iota + m * 16, val & 15])

        @pl.when(item > first)
        def _drain():
            pltpu.make_async_copy(
                out_hbm.at[pl.ds(0, D), pl.ds(0, CB)], out_v, osem).wait()

        def one(k):
            rec = rows_v[k]
            rec32 = plsc.bitcast(rec, jnp.int32)
            sel = plsc.load_gather(sub_v, [iota * 0 + k]) + qiota
            w = lax.gather(rec32, sel[:, None], gdims, (1,),
                           mode=lax.GatherScatterMode.PROMISE_IN_BOUNDS)
            s = plsc.load_gather(scale_c, [iota * 0 + k])
            val = ((w << lsh) >> 24).astype(jnp.float32) * s
            plsc.store_scatter(out_v, [iota, iota * 0 + k], val)

        @plsc.parallel_loop(0, CB, unroll=4)
        def _body(k):
            one(k)
        pltpu.async_copy(
            out_v, out_hbm.at[pl.ds(lrow * D, D), pl.ds(bc * CB, CB)], osem)

    bufs_a = (ia_v, iqa_v, isa_v, ra_v, sca_v, suba_v, gsa)
    bufs_b = (ib_v, iqb_v, isb_v, rb_v, scb_v, subb_v, gsb)

    stage(first, *bufs_a)

    def pair(u, carry):
        base = first + 2 * u
        stage(base + 1, *bufs_b)
        consume(base, *bufs_a)
        stage(base + 2, *bufs_a)
        consume(base + 1, *bufs_b)
        return carry

    lax.fori_loop(0, (PER_W - 1) // 2, pair, 0)
    consume(first + PER_W - 1, *bufs_a)
    pltpu.make_async_copy(
        out_hbm.at[pl.ds(0, D), pl.ds(0, CB)], out_v, osem).wait()


@jax.jit
def _run(idxt, weight, scaleq):
    mesh = plsc.VectorSubcoreMesh(core_axis_name="c", subcore_axis_name="s")
    f = functools.partial(
        pl.kernel,
        mesh=mesh,
        out_type=jax.ShapeDtypeStruct((L * D, B), jnp.float32),
        scratch_types=[
            pltpu.VMEM((CB,), jnp.int32),
            pltpu.VMEM((CB,), jnp.int32),
            pltpu.VMEM((CB,), jnp.int32),
            pltpu.VMEM((CB, 64), jnp.int8),
            pltpu.VMEM((CB, 16), jnp.float32),
            pltpu.VMEM((CB,), jnp.int32),
            pltpu.VMEM((CB,), jnp.int32),
            pltpu.VMEM((CB,), jnp.int32),
            pltpu.VMEM((CB,), jnp.int32),
            pltpu.VMEM((CB, 64), jnp.int8),
            pltpu.VMEM((CB, 16), jnp.float32),
            pltpu.VMEM((CB,), jnp.int32),
            pltpu.VMEM((CB,), jnp.float32),
            pltpu.VMEM((D, CB), jnp.float32),
            pltpu.SemaphoreType.DMA,
            pltpu.SemaphoreType.DMA,
            pltpu.SemaphoreType.DMA,
        ],
        compiler_params=pltpu.CompilerParams(
            needs_layout_passes=False, use_tc_tiling_on_sc=False),
    )(_dequant_lookup)
    return f(idxt, weight, scaleq)


def kernel(input, weight, weight_scale):
    idxt = input.T.reshape(-1)
    wrec = weight.reshape(V // 4, 64)
    scaleq = weight_scale.reshape(V // 16, 16)
    out = _run(idxt, wrec, scaleq)
    return out.reshape(L, D, B).transpose(2, 0, 1)

# --- scband reference (transcript-rebuilt; emitter-appended) ---
"""Pipeline reference for scband-quantized-embedding-28458453303848 (READ-ONLY COPY).

The authoritative reference and input builder live on the scoring server;
editing this copy changes nothing except your own understanding.
"""

import jax, jax.numpy as jnp
import numpy as np

V = 1000000
D = 16
B = 16384
L = 50

def setup_inputs(seed: int = 0) -> dict:
    key = jax.random.key(seed)
    k1, k2, k3 = jax.random.split(key, 3)
    input_ids = jax.random.randint(k1, (B, L), 0, V, dtype=jnp.int32)
    weight = jax.random.randint(k2, (V, D), -128, 127, dtype=jnp.int32).astype(jnp.int8)
    weight_scale = jax.random.uniform(k3, (V,), dtype=jnp.float32) * 0.02 + 0.005
    return {"input": input_ids, "weight": weight, "weight_scale": weight_scale}

def reference(input, weight, weight_scale):
    # Dequantize the int8 table: per-row scale, matching weight.float() * weight_scale.view(-1, 1)
    weight_float = weight.astype(jnp.float32) * weight_scale[:, None]
    # F.embedding with padding_idx=None, max_norm=None -> plain row gather
    out = jnp.take(weight_float, input, axis=0)
    return out

if __name__ == "__main__":
    import jax
    _d = setup_inputs()
    print(jax.jit(kernel)(*tuple(_d.values())))

</pallas_src>

<mosaic_0001>
#map = affine_map<(d0, d1) -> (0)>
#map1 = affine_map<(d0, d1) -> (0, 0)>
module attributes {stable_mosaic.version = 14 : i64} {
  func.func @_dequant_lookup(%arg0: i32, %arg1: i32, %arg2: memref<819200xi32, #tpu.memory_space<hbm>>, %arg3: memref<250000x64xi8, #tpu.memory_space<hbm>>, %arg4: memref<62500x16xf32, #tpu.memory_space<hbm>>, %arg5: memref<800x16384xf32, #tpu.memory_space<hbm>>, %arg6: memref<1024xi32, #tpu.memory_space<vmem>>, %arg7: memref<1024xi32, #tpu.memory_space<vmem>>, %arg8: memref<1024xi32, #tpu.memory_space<vmem>>, %arg9: memref<1024x64xi8, #tpu.memory_space<vmem>>, %arg10: memref<1024x16xf32, #tpu.memory_space<vmem>>, %arg11: memref<1024xi32, #tpu.memory_space<vmem>>, %arg12: memref<1024xi32, #tpu.memory_space<vmem>>, %arg13: memref<1024xi32, #tpu.memory_space<vmem>>, %arg14: memref<1024xi32, #tpu.memory_space<vmem>>, %arg15: memref<1024x64xi8, #tpu.memory_space<vmem>>, %arg16: memref<1024x16xf32, #tpu.memory_space<vmem>>, %arg17: memref<1024xi32, #tpu.memory_space<vmem>>, %arg18: memref<1024xf32, #tpu.memory_space<vmem>>, %arg19: memref<16x1024xf32, #tpu.memory_space<vmem>>, %arg20: memref<!tpu.dma_semaphore, #tpu.memory_space<semaphore_mem>>, %arg21: memref<!tpu.dma_semaphore, #tpu.memory_space<semaphore_mem>>, %arg22: memref<!tpu.dma_semaphore, #tpu.memory_space<semaphore_mem>>) attributes {dimension_semantics = [#tpu.dimension_semantics<core_parallel>, #tpu.dimension_semantics<subcore_parallel>], iteration_bounds = array<i64: 2, 16>, scalar_prefetch = 0 : i64, scratch_operands = 17 : i64, tpu.core_type = #tpu.core_type<sc_vector_subcore>, window_params = [{transform_indices = #map}, {transform_indices = #map1}, {transform_indices = #map1}, {transform_indices = #map1}]} {
    %mul3A = arith.constant 2 : i32
    %mul3A_0 = arith.muli %arg1, %mul3A : i32
    %add3A = arith.addi %mul3A_0, %arg0 : i32
    %mul3A_1 = arith.constant 25 : i32
    %mul3A_2 = arith.muli %add3A, %mul3A_1 : i32
    %iota3A = tpu.iota {dimensions = array<i32: 0>} : vector<16xi32>
    %shift_right_arithmetic3A = arith.constant 2 : i32
    %shift_right_arithmetic3A_3 = vector.broadcast %shift_right_arithmetic3A : i32 to vector<16xi32>
    %shift_right_arithmetic3A_4 = arith.shrsi %iota3A, %shift_right_arithmetic3A_3 : vector<16xi32>
    %and3A = arith.constant 3 : i32
    %and3A_5 = vector.broadcast %and3A : i32 to vector<16xi32>
    %and3A_6 = arith.andi %iota3A, %and3A_5 : vector<16xi32>
    %mul3A_7 = arith.constant 8 : i32
    %mul3A_8 = vector.broadcast %mul3A_7 : i32 to vector<16xi32>
    %mul3A_9 = arith.muli %and3A_6, %mul3A_8 : vector<16xi32>
    %sub3A = arith.constant 24 : i32
    %sub3A_10 = vector.broadcast %sub3A : i32 to vector<16xi32>
    %sub3A_11 = arith.subi %sub3A_10, %mul3A_9 : vector<16xi32>
    %shift_right_arithmetic3A_12 = arith.constant 4 : i32
    %shift_right_arithmetic3A_13 = arith.shrsi %mul3A_2, %shift_right_arithmetic3A_12 : i32
    %and3A_14 = arith.constant 15 : i32
    %and3A_15 = arith.andi %mul3A_2, %and3A_14 : i32
    %mul3A_16 = arith.constant 16384 : i32
    %mul3A_17 = arith.muli %shift_right_arithmetic3A_13, %mul3A_16 : i32
    %mul3A_18 = arith.constant 1024 : i32
    %mul3A_19 = arith.muli %and3A_15, %mul3A_18 : i32
    %add3A_20 = arith.addi %mul3A_17, %mul3A_19 : i32
    "tpu.region"() ({
      %run_scoped3A = tpu.sem_alloc : memref<!tpu.dma_semaphore, #tpu.memory_space<semaphore_mem>>
      %dma_start3A_65 = tpu.memref_slice %arg2[%add3A_20] : memref<819200xi32, #tpu.memory_space<hbm>> -> memref<1024xi32, #tpu.memory_space<hbm>>
      %dma_start3A_66 = tpu.memref_slice %arg2[%add3A_20] : memref<819200xi32, #tpu.memory_space<hbm>> -> memref<1024xi32, #tpu.memory_space<hbm>>
      tpu.enqueue_dma source(%dma_start3A_66 : memref<1024xi32, #tpu.memory_space<hbm>>) target(%arg6 : memref<1024xi32, #tpu.memory_space<vmem>>) target_semaphore(%run_scoped3A : memref<!tpu.dma_semaphore, #tpu.memory_space<semaphore_mem>>)
      %dma_wait3A_67 = tpu.memref_slice %arg2[%add3A_20] : memref<819200xi32, #tpu.memory_space<hbm>> -> memref<1024xi32, #tpu.memory_space<hbm>>
      %dma_wait3A_68 = tpu.memref_slice %arg2[%add3A_20] : memref<819200xi32, #tpu.memory_space<hbm>> -> memref<1024xi32, #tpu.memory_space<hbm>>
      tpu.wait_dma2 semaphore(%run_scoped3A : memref<!tpu.dma_semaphore, #tpu.memory_space<semaphore_mem>>) src(%dma_wait3A_68 : memref<1024xi32, #tpu.memory_space<hbm>>) dst(%arg6 : memref<1024xi32, #tpu.memory_space<vmem>>)
      tpu.yield
    }) : () -> ()
    %parallel_loop3A = arith.constant 0 : i32
    %parallel_loop3A_21 = arith.constant 64 : i32
    %parallel_loop3A_22 = arith.constant 1 : i32
    scf.for %parallel_loop3A_65 = %parallel_loop3A to %parallel_loop3A_21 step %parallel_loop3A_22  : i32 {
      %parallel_loop3A_66 = arith.constant 16 : i32
      %parallel_loop3A_67 = arith.muli %parallel_loop3A_65, %parallel_loop3A_66 : i32
      %parallel_loop3A_68 = arith.index_cast %parallel_loop3A_67 : i32 to index
      %parallel_loop3A_69 = tpu.vector_load %arg6[%parallel_loop3A_68] {strides = array<i32>} : memref<1024xi32, #tpu.memory_space<vmem>>, vector<16xi32>,
      %parallel_loop3A_70 = arith.constant 2 : i32
      %parallel_loop3A_71 = vector.broadcast %parallel_loop3A_70 : i32 to vector<16xi32>
      %parallel_loop3A_72 = arith.shrsi %parallel_loop3A_69, %parallel_loop3A_71 : vector<16xi32>
      %parallel_loop3A_73 = arith.constant 16 : i32
      %parallel_loop3A_74 = arith.muli %parallel_loop3A_65, %parallel_loop3A_73 : i32
      %parallel_loop3A_75 = arith.index_cast %parallel_loop3A_74 : i32 to index
      %parallel_loop3A_76 = tpu.vector_load %arg7[%parallel_loop3A_75] {strides = array<i32>} : memref<1024xi32, #tpu.memory_space<vmem>>, vector<16xi32>,
      tpu.vector_store %arg7[%parallel_loop3A_75], %parallel_loop3A_72 {strides = array<i32>} : memref<1024xi32, #tpu.memory_space<vmem>>, vector<16xi32>,
      %parallel_loop3A_77 = arith.constant 4 : i32
      %parallel_loop3A_78 = vector.broadcast %parallel_loop3A_77 : i32 to vector<16xi32>
      %parallel_loop3A_79 = arith.shrsi %parallel_loop3A_69, %parallel_loop3A_78 : vector<16xi32>
      %parallel_loop3A_80 = arith.constant 16 : i32
      %parallel_loop3A_81 = arith.muli %parallel_loop3A_65, %parallel_loop3A_80 : i32
      %parallel_loop3A_82 = arith.index_cast %parallel_loop3A_81 : i32 to index
      %parallel_loop3A_83 = tpu.vector_load %arg8[%parallel_loop3A_82] {strides = array<i32>} : memref<1024xi32, #tpu.memory_space<vmem>>, vector<16xi32>,
      tpu.vector_store %arg8[%parallel_loop3A_82], %parallel_loop3A_79 {strides = array<i32>} : memref<1024xi32, #tpu.memory_space<vmem>>, vector<16xi32>,
      %parallel_loop3A_84 = arith.constant 3 : i32
      %parallel_loop3A_85 = vector.broadcast %parallel_loop3A_84 : i32 to vector<16xi32>
      %parallel_loop3A_86 = arith.andi %parallel_loop3A_69, %parallel_loop3A_85 : vector<16xi32>
      %parallel_loop3A_87 = arith.constant 2 : i32
      %parallel_loop3A_88 = vector.broadcast %parallel_loop3A_87 : i32 to vector<16xi32>
      %parallel_loop3A_89 = arith.shli %parallel_loop3A_86, %parallel_loop3A_88 : vector<16xi32>
      %parallel_loop3A_90 = arith.constant 16 : i32
      %parallel_loop3A_91 = arith.muli %parallel_loop3A_65, %parallel_loop3A_90 : i32
      %parallel_loop3A_92 = arith.index_cast %parallel_loop3A_91 : i32 to index
      %parallel_loop3A_93 = tpu.vector_load %arg11[%parallel_loop3A_92] {strides = array<i32>} : memref<1024xi32, #tpu.memory_space<vmem>>, vector<16xi32>,
      tpu.vector_store %arg11[%parallel_loop3A_92], %parallel_loop3A_89 {strides = array<i32>} : memref<1024xi32, #tpu.memory_space<vmem>>, vector<16xi32>,
    } {sc.loop_unroll_factor = 2 : i64, sc.parallel_access}
    %dma_start3A = arith.constant 0 : i32
    %dma_start3A_23 = arith.constant 0 : i32
    %dma_start3A_24 = tpu.memref_slice %arg3[%dma_start3A, %dma_start3A_23] : memref<250000x64xi8, #tpu.memory_space<hbm>> -> memref<250000x64xi8, #tpu.memory_space<hbm>>
    tpu.enqueue_indirect_dma source(%dma_start3A_24 : memref<250000x64xi8, #tpu.memory_space<hbm>>) target(%arg9 : memref<1024x64xi8, #tpu.memory_space<vmem>>) offsets(%arg7 : memref<1024xi32, #tpu.memory_space<vmem>>) semaphore(%arg20 : memref<!tpu.dma_semaphore, #tpu.memory_space<semaphore_mem>>)
    %dma_start3A_25 = arith.constant 0 : i32
    %dma_start3A_26 = arith.constant 0 : i32
    %dma_start3A_27 = tpu.memref_slice %arg4[%dma_start3A_25, %dma_start3A_26] : memref<62500x16xf32, #tpu.memory_space<hbm>> -> memref<62500x16xf32, #tpu.memory_space<hbm>>
    tpu.enqueue_indirect_dma source(%dma_start3A_27 : memref<62500x16xf32, #tpu.memory_space<hbm>>) target(%arg10 : memref<1024x16xf32, #tpu.memory_space<vmem>>) offsets(%arg8 : memref<1024xi32, #tpu.memory_space<vmem>>) semaphore(%arg20 : memref<!tpu.dma_semaphore, #tpu.memory_space<semaphore_mem>>)
    %scan3A = arith.constant 0 : i32
    %scan3A_28 = arith.constant 0 : i32
    %scan3A_29 = arith.constant 12 : i32
    %scan3A_30 = arith.addi %scan3A_28, %scan3A_29 : i32
    %scan3A_31 = arith.constant 1 : i32
    scf.for %scan3A_65 = %scan3A_28 to %scan3A_30 step %scan3A_31  : i32 {
      %mul3A_66 = arith.constant 2 : i32
      %mul3A_67 = arith.muli %mul3A_66, %scan3A_65 : i32
      %add3A_68 = arith.addi %mul3A_2, %mul3A_67 : i32
      %add3A_69 = arith.constant 1 : i32
      %add3A_70 = arith.addi %add3A_68, %add3A_69 : i32
      %shift_right_arithmetic3A_71 = arith.constant 4 : i32
      %shift_right_arithmetic3A_72 = arith.shrsi %add3A_70, %shift_right_arithmetic3A_71 : i32
      %and3A_73 = arith.constant 15 : i32
      %and3A_74 = arith.andi %add3A_70, %and3A_73 : i32
      %mul3A_75 = arith.constant 16384 : i32
      %mul3A_76 = arith.muli %shift_right_arithmetic3A_72, %mul3A_75 : i32
      %mul3A_77 = arith.constant 1024 : i32
      %mul3A_78 = arith.muli %and3A_74, %mul3A_77 : i32
      %add3A_79 = arith.addi %mul3A_76, %mul3A_78 : i32
      "tpu.region"() ({
        %run_scoped3A = tpu.sem_alloc : memref<!tpu.dma_semaphore, #tpu.memory_space<semaphore_mem>>
        %dma_start3A_163 = tpu.memref_slice %arg2[%add3A_79] : memref<819200xi32, #tpu.memory_space<hbm>> -> memref<1024xi32, #tpu.memory_space<hbm>>
        %dma_start3A_164 = tpu.memref_slice %arg2[%add3A_79] : memref<819200xi32, #tpu.memory_space<hbm>> -> memref<1024xi32, #tpu.memory_space<hbm>>
        tpu.enqueue_dma source(%dma_start3A_164 : memref<1024xi32, #tpu.memory_space<hbm>>) target(%arg12 : memref<1024xi32, #tpu.memory_space<vmem>>) target_semaphore(%run_scoped3A : memref<!tpu.dma_semaphore, #tpu.memory_space<semaphore_mem>>)
        %dma_wait3A_165 = tpu.memref_slice %arg2[%add3A_79] : memref<819200xi32, #tpu.memory_space<hbm>> -> memref<1024xi32, #tpu.memory_space<hbm>>
        %dma_wait3A_166 = tpu.memref_slice %arg2[%add3A_79] : memref<819200xi32, #tpu.memory_space<hbm>> -> memref<1024xi32, #tpu.memory_space<hbm>>
        tpu.wait_dma2 semaphore(%run_scoped3A : memref<!tpu.dma_semaphore, #tpu.memory_space<semaphore_mem>>) src(%dma_wait3A_166 : memref<1024xi32, #tpu.memory_space<hbm>>) dst(%arg12 : memref<1024xi32, #tpu.memory_space<vmem>>)
        tpu.yield
      }) : () -> ()
      %parallel_loop3A_80 = arith.constant 0 : i32
      %parallel_loop3A_81 = arith.constant 64 : i32
      %parallel_loop3A_82 = arith.constant 1 : i32
      scf.for %parallel_loop3A_163 = %parallel_loop3A_80 to %parallel_loop3A_81 step %parallel_loop3A_82  : i32 {
        %parallel_loop3A_164 = arith.constant 16 : i32
        %parallel_loop3A_165 = arith.muli %parallel_loop3A_163, %parallel_loop3A_164 : i32
        %parallel_loop3A_166 = arith.index_cast %parallel_loop3A_165 : i32 to index
        %parallel_loop3A_167 = tpu.vector_load %arg12[%parallel_loop3A_166] {strides = array<i32>} : memref<1024xi32, #tpu.memory_space<vmem>>, vector<16xi32>,
        %parallel_loop3A_168 = arith.constant 2 : i32
        %parallel_loop3A_169 = vector.broadcast %parallel_loop3A_168 : i32 to vector<16xi32>
        %parallel_loop3A_170 = arith.shrsi %parallel_loop3A_167, %parallel_loop3A_169 : vector<16xi32>
        %parallel_loop3A_171 = arith.constant 16 : i32
        %parallel_loop3A_172 = arith.muli %parallel_loop3A_163, %parallel_loop3A_171 : i32
        %parallel_loop3A_173 = arith.index_cast %parallel_loop3A_172 : i32 to index
        %parallel_loop3A_174 = tpu.vector_load %arg13[%parallel_loop3A_173] {strides = array<i32>} : memref<1024xi32, #tpu.memory_space<vmem>>, vector<16xi32>,
        tpu.vector_store %arg13[%parallel_loop3A_173], %parallel_loop3A_170 {strides = array<i32>} : memref<1024xi32, #tpu.memory_space<vmem>>, vector<16xi32>,
        %parallel_loop3A_175 = arith.constant 4 : i32
        %parallel_loop3A_176 = vector.broadcast %parallel_loop3A_175 : i32 to vector<16xi32>
        %parallel_loop3A_177 = arith.shrsi %parallel_loop3A_167, %parallel_loop3A_176 : vector<16xi32>
        %parallel_loop3A_178 = arith.constant 16 : i32
        %parallel_loop3A_179 = arith.muli %parallel_loop3A_163, %parallel_loop3A_178 : i32
        %parallel_loop3A_180 = arith.index_cast %parallel_loop3A_179 : i32 to index
        %parallel_loop3A_181 = tpu.vector_load %arg14[%parallel_loop3A_180] {strides = array<i32>} : memref<1024xi32, #tpu.memory_space<vmem>>, vector<16xi32>,
        tpu.vector_store %arg14[%parallel_loop3A_180], %parallel_loop3A_177 {strides = array<i32>} : memref<1024xi32, #tpu.memory_space<vmem>>, vector<16xi32>,
        %parallel_loop3A_182 = arith.constant 3 : i32
        %parallel_loop3A_183 = vector.broadcast %parallel_loop3A_182 : i32 to vector<16xi32>
        %parallel_loop3A_184 = arith.andi %parallel_loop3A_167, %parallel_loop3A_183 : vector<16xi32>
        %parallel_loop3A_185 = arith.constant 2 : i32
        %parallel_loop3A_186 = vector.broadcast %parallel_loop3A_185 : i32 to vector<16xi32>
        %parallel_loop3A_187 = arith.shli %parallel_loop3A_184, %parallel_loop3A_186 : vector<16xi32>
        %parallel_loop3A_188 = arith.constant 16 : i32
        %parallel_loop3A_189 = arith.muli %parallel_loop3A_163, %parallel_loop3A_188 : i32
        %parallel_loop3A_190 = arith.index_cast %parallel_loop3A_189 : i32 to index
        %parallel_loop3A_191 = tpu.vector_load %arg17[%parallel_loop3A_190] {strides = array<i32>} : memref<1024xi32, #tpu.memory_space<vmem>>, vector<16xi32>,
        tpu.vector_store %arg17[%parallel_loop3A_190], %parallel_loop3A_187 {strides = array<i32>} : memref<1024xi32, #tpu.memory_space<vmem>>, vector<16xi32>,
      } {sc.loop_unroll_factor = 2 : i64, sc.parallel_access}
      %dma_start3A_83 = arith.constant 0 : i32
      %dma_start3A_84 = arith.constant 0 : i32
      %dma_start3A_85 = tpu.memref_slice %arg3[%dma_start3A_83, %dma_start3A_84] : memref<250000x64xi8, #tpu.memory_space<hbm>> -> memref<250000x64xi8, #tpu.memory_space<hbm>>
      tpu.enqueue_indirect_dma source(%dma_start3A_85 : memref<250000x64xi8, #tpu.memory_space<hbm>>) target(%arg15 : memref<1024x64xi8, #tpu.memory_space<vmem>>) offsets(%arg13 : memref<1024xi32, #tpu.memory_space<vmem>>) semaphore(%arg21 : memref<!tpu.dma_semaphore, #tpu.memory_space<semaphore_mem>>)
      %dma_start3A_86 = arith.constant 0 : i32
      %dma_start3A_87 = arith.constant 0 : i32
      %dma_start3A_88 = tpu.memref_slice %arg4[%dma_start3A_86, %dma_start3A_87] : memref<62500x16xf32, #tpu.memory_space<hbm>> -> memref<62500x16xf32, #tpu.memory_space<hbm>>
      tpu.enqueue_indirect_dma source(%dma_start3A_88 : memref<62500x16xf32, #tpu.memory_space<hbm>>) target(%arg16 : memref<1024x16xf32, #tpu.memory_space<vmem>>) offsets(%arg14 : memref<1024xi32, #tpu.memory_space<vmem>>) semaphore(%arg21 : memref<!tpu.dma_semaphore, #tpu.memory_space<semaphore_mem>>)
      %shift_right_arithmetic3A_89 = arith.constant 4 : i32
      %shift_right_arithmetic3A_90 = arith.shrsi %add3A_68, %shift_right_arithmetic3A_89 : i32
      %and3A_91 = arith.constant 15 : i32
      %and3A_92 = arith.andi %add3A_68, %and3A_91 : i32
      %dma_wait3A_93 = arith.constant 0 : i32
      %dma_wait3A_94 = arith.constant 0 : i32
      %dma_wait3A_95 = tpu.memref_slice %arg3[%dma_wait3A_93, %dma_wait3A_94] : memref<250000x64xi8, #tpu.memory_space<hbm>> -> memref<250000x64xi8, #tpu.memory_space<hbm>>
      tpu.wait_indirect_dma semaphore(%arg20 : memref<!tpu.dma_semaphore, #tpu.memory_space<semaphore_mem>>) src(%dma_wait3A_95 : memref<250000x64xi8, #tpu.memory_space<hbm>>) dst(%arg9 : memref<1024x64xi8, #tpu.memory_space<vmem>>)
      %dma_wait3A_96 = arith.constant 0 : i32
      %dma_wait3A_97 = arith.constant 0 : i32
      %dma_wait3A_98 = tpu.memref_slice %arg4[%dma_wait3A_96, %dma_wait3A_97] : memref<62500x16xf32, #tpu.memory_space<hbm>> -> memref<62500x16xf32, #tpu.memory_space<hbm>>
      tpu.wait_indirect_dma semaphore(%arg20 : memref<!tpu.dma_semaphore, #tpu.memory_space<semaphore_mem>>) src(%dma_wait3A_98 : memref<62500x16xf32, #tpu.memory_space<hbm>>) dst(%arg10 : memref<1024x16xf32, #tpu.memory_space<vmem>>)
      %parallel_loop3A_99 = arith.constant 0 : i32
      %parallel_loop3A_100 = arith.constant 64 : i32
      %parallel_loop3A_101 = arith.constant 1 : i32
      scf.for %parallel_loop3A_163 = %parallel_loop3A_99 to %parallel_loop3A_100 step %parallel_loop3A_101  : i32 {
        %parallel_loop3A_164 = arith.constant 16 : i32
        %parallel_loop3A_165 = arith.muli %parallel_loop3A_163, %parallel_loop3A_164 : i32
        %parallel_loop3A_166 = arith.index_cast %parallel_loop3A_165 : i32 to index
        %parallel_loop3A_167 = tpu.vector_load %arg6[%parallel_loop3A_166] {strides = array<i32>} : memref<1024xi32, #tpu.memory_space<vmem>>, vector<16xi32>,
        %parallel_loop3A_168 = arith.constant 16 : i32
        %parallel_loop3A_169 = arith.muli %parallel_loop3A_163, %parallel_loop3A_168 : i32
        %parallel_loop3A_170 = vector.broadcast %parallel_loop3A_169 : i32 to vector<16xi32>
        %parallel_loop3A_171 = arith.addi %iota3A, %parallel_loop3A_170 : vector<16xi32>
        %parallel_loop3A_172 = arith.constant 15 : i32
        %parallel_loop3A_173 = vector.broadcast %parallel_loop3A_172 : i32 to vector<16xi32>
        %parallel_loop3A_174 = arith.andi %parallel_loop3A_167, %parallel_loop3A_173 : vector<16xi32>
        %parallel_loop3A_175 = tpu.vector_load_idx %arg10[%parallel_loop3A_171, %parallel_loop3A_174] : memref<1024x16xf32, #tpu.memory_space<vmem>>[vector<16xi32>, vector<16xi32>], vector<16xf32>,
        %parallel_loop3A_176 = arith.constant 16 : i32
        %parallel_loop3A_177 = arith.muli %parallel_loop3A_163, %parallel_loop3A_176 : i32
        %parallel_loop3A_178 = arith.index_cast %parallel_loop3A_177 : i32 to index
        %parallel_loop3A_179 = tpu.vector_load %arg18[%parallel_loop3A_178] {strides = array<i32>} : memref<1024xf32, #tpu.memory_space<vmem>>, vector<16xf32>,
        tpu.vector_store %arg18[%parallel_loop3A_178], %parallel_loop3A_175 {strides = array<i32>} : memref<1024xf32, #tpu.memory_space<vmem>>, vector<16xf32>,
      } {sc.loop_unroll_factor = 2 : i64, sc.parallel_access}
      %gt3A_102 = arith.cmpi sgt, %add3A_68, %mul3A_2 : i32
      %convert_element_type3A_103 = arith.extui %gt3A_102 : i1 to i32
      %cond3A_104 = arith.constant 0 : i32
      %cond3A_105 = arith.cmpi ne, %convert_element_type3A_103, %cond3A_104 : i32
      scf.if %cond3A_105 {
        %dma_wait3A_163 = arith.constant 0 : i32
        %dma_wait3A_164 = arith.constant 0 : i32
        %dma_wait3A_165 = tpu.memref_slice %arg5[%dma_wait3A_163, %dma_wait3A_164] : memref<800x16384xf32, #tpu.memory_space<hbm>> -> memref<16x1024xf32, #tpu.memory_space<hbm>>
        %dma_wait3A_166 = arith.constant 0 : i32
        %dma_wait3A_167 = arith.constant 0 : i32
        %dma_wait3A_168 = tpu.memref_slice %arg5[%dma_wait3A_166, %dma_wait3A_167] : memref<800x16384xf32, #tpu.memory_space<hbm>> -> memref<16x1024xf32, #tpu.memory_space<hbm>>
        tpu.wait_dma2 semaphore(%arg22 : memref<!tpu.dma_semaphore, #tpu.memory_space<semaphore_mem>>) src(%dma_wait3A_168 : memref<16x1024xf32, #tpu.memory_space<hbm>>) dst(%arg19 : memref<16x1024xf32, #tpu.memory_space<vmem>>)
      } else {
      }
      %parallel_loop3A_106 = arith.constant 0 : i32
      %parallel_loop3A_107 = arith.constant 1024 : i32
      %parallel_loop3A_108 = arith.constant 1 : i32
      scf.for %parallel_loop3A_163 = %parallel_loop3A_106 to %parallel_loop3A_107 step %parallel_loop3A_108  : i32 {
        %parallel_loop3A_164 = arith.index_cast %parallel_loop3A_163 : i32 to index
        %parallel_loop3A_165 = arith.constant 0 : index
        %parallel_loop3A_166 = tpu.vector_load %arg9[%parallel_loop3A_164, %parallel_loop3A_165] {strides = array<i32>} : memref<1024x64xi8, #tpu.memory_space<vmem>>, vector<64xi8>,
        %parallel_loop3A_167 = vector.bitcast %parallel_loop3A_166 : vector<64xi8> to vector<16xi32>
        %parallel_loop3A_168 = arith.constant 0 : i32
        %parallel_loop3A_169 = vector.broadcast %parallel_loop3A_168 : i32 to vector<16xi32>
        %parallel_loop3A_170 = arith.muli %iota3A, %parallel_loop3A_169 : vector<16xi32>
        %parallel_loop3A_171 = vector.broadcast %parallel_loop3A_163 : i32 to vector<16xi32>
        %parallel_loop3A_172 = arith.addi %parallel_loop3A_170, %parallel_loop3A_171 : vector<16xi32>
        %parallel_loop3A_173 = tpu.vector_load_idx %arg11[%parallel_loop3A_172] : memref<1024xi32, #tpu.memory_space<vmem>>[vector<16xi32>], vector<16xi32>,
        %parallel_loop3A_174 = arith.addi %parallel_loop3A_173, %shift_right_arithmetic3A_4 : vector<16xi32>
        %parallel_loop3A_175 = vector.shape_cast %parallel_loop3A_174 : vector<16xi32> to vector<16x1xi32>
        %parallel_loop3A_176 = vector.shape_cast %parallel_loop3A_175 : vector<16x1xi32> to vector<16xi32>
        %parallel_loop3A_177 = tpu.dynamic_gather %parallel_loop3A_167[%parallel_loop3A_176] in [0] : vector<16xi32>, vector<16xi32> -> vector<16xi32>
        %parallel_loop3A_178 = arith.constant 0 : i32
        %parallel_loop3A_179 = vector.broadcast %parallel_loop3A_178 : i32 to vector<16xi32>
        %parallel_loop3A_180 = arith.muli %iota3A, %parallel_loop3A_179 : vector<16xi32>
        %parallel_loop3A_181 = vector.broadcast %parallel_loop3A_163 : i32 to vector<16xi32>
        %parallel_loop3A_182 = arith.addi %parallel_loop3A_180, %parallel_loop3A_181 : vector<16xi32>
        %parallel_loop3A_183 = tpu.vector_load_idx %arg18[%parallel_loop3A_182] : memref<1024xf32, #tpu.memory_space<vmem>>[vector<16xi32>], vector<16xf32>,
        %parallel_loop3A_184 = arith.shli %parallel_loop3A_177, %sub3A_11 : vector<16xi32>
        %parallel_loop3A_185 = arith.constant 24 : i32
        %parallel_loop3A_186 = vector.broadcast %parallel_loop3A_185 : i32 to vector<16xi32>
        %parallel_loop3A_187 = arith.shrsi %parallel_loop3A_184, %parallel_loop3A_186 : vector<16xi32>
        %parallel_loop3A_188 = arith.sitofp %parallel_loop3A_187 : vector<16xi32> to vector<16xf32>
        %parallel_loop3A_189 = arith.mulf %parallel_loop3A_188, %parallel_loop3A_183 : vector<16xf32>
        %parallel_loop3A_190 = arith.constant 0 : i32
        %parallel_loop3A_191 = vector.broadcast %parallel_loop3A_190 : i32 to vector<16xi32>
        %parallel_loop3A_192 = arith.muli %iota3A, %parallel_loop3A_191 : vector<16xi32>
        %parallel_loop3A_193 = vector.broadcast %parallel_loop3A_163 : i32 to vector<16xi32>
        %parallel_loop3A_194 = arith.addi %parallel_loop3A_192, %parallel_loop3A_193 : vector<16xi32>
        tpu.vector_store_idx %arg19[%iota3A, %parallel_loop3A_194], %parallel_loop3A_189 : memref<16x1024xf32, #tpu.memory_space<vmem>>[vector<16xi32>, vector<16xi32>], vector<16xf32>,
      } {sc.loop_unroll_factor = 4 : i64, sc.parallel_access}
      %mul3A_109 = arith.constant 16 : i32
      %mul3A_110 = arith.muli %shift_right_arithmetic3A_90, %mul3A_109 : i32
      %mul3A_111 = arith.constant 1024 : i32
      %mul3A_112 = arith.muli %and3A_92, %mul3A_111 : i32
      %dma_start3A_113 = tpu.memref_slice %arg5[%mul3A_110, %mul3A_112] : memref<800x16384xf32, #tpu.memory_space<hbm>> -> memref<16x1024xf32, #tpu.memory_space<hbm>>
      %dma_start3A_114 = tpu.memref_slice %arg5[%mul3A_110, %mul3A_112] : memref<800x16384xf32, #tpu.memory_space<hbm>> -> memref<16x1024xf32, #tpu.memory_space<hbm>>
      tpu.enqueue_dma source(%arg19 : memref<16x1024xf32, #tpu.memory_space<vmem>>) target(%dma_start3A_114 : memref<16x1024xf32, #tpu.memory_space<hbm>>) target_semaphore(%arg22 : memref<!tpu.dma_semaphore, #tpu.memory_space<semaphore_mem>>)
      %add3A_115 = arith.constant 2 : i32
      %add3A_116 = arith.addi %add3A_68, %add3A_115 : i32
      %shift_right_arithmetic3A_117 = arith.constant 4 : i32
      %shift_right_arithmetic3A_118 = arith.shrsi %add3A_116, %shift_right_arithmetic3A_117 : i32
      %and3A_119 = arith.constant 15 : i32
      %and3A_120 = arith.andi %add3A_116, %and3A_119 : i32
      %mul3A_121 = arith.constant 16384 : i32
      %mul3A_122 = arith.muli %shift_right_arithmetic3A_118, %mul3A_121 : i32
      %mul3A_123 = arith.constant 1024 : i32
      %mul3A_124 = arith.muli %and3A_120, %mul3A_123 : i32
      %add3A_125 = arith.addi %mul3A_122, %mul3A_124 : i32
      "tpu.region"() ({
        %run_scoped3A = tpu.sem_alloc : memref<!tpu.dma_semaphore, #tpu.memory_space<semaphore_mem>>
        %dma_start3A_163 = tpu.memref_slice %arg2[%add3A_125] : memref<819200xi32, #tpu.memory_space<hbm>> -> memref<1024xi32, #tpu.memory_space<hbm>>
        %dma_start3A_164 = tpu.memref_slice %arg2[%add3A_125] : memref<819200xi32, #tpu.memory_space<hbm>> -> memref<1024xi32, #tpu.memory_space<hbm>>
        tpu.enqueue_dma source(%dma_start3A_164 : memref<1024xi32, #tpu.memory_space<hbm>>) target(%arg6 : memref<1024xi32, #tpu.memory_space<vmem>>) target_semaphore(%run_scoped3A : memref<!tpu.dma_semaphore, #tpu.memory_space<semaphore_mem>>)
        %dma_wait3A_165 = tpu.memref_slice %arg2[%add3A_125] : memref<819200xi32, #tpu.memory_space<hbm>> -> memref<1024xi32, #tpu.memory_space<hbm>>
        %dma_wait3A_166 = tpu.memref_slice %arg2[%add3A_125] : memref<819200xi32, #tpu.memory_space<hbm>> -> memref<1024xi32, #tpu.memory_space<hbm>>
        tpu.wait_dma2 semaphore(%run_scoped3A : memref<!tpu.dma_semaphore, #tpu.memory_space<semaphore_mem>>) src(%dma_wait3A_166 : memref<1024xi32, #tpu.memory_space<hbm>>) dst(%arg6 : memref<1024xi32, #tpu.memory_space<vmem>>)
        tpu.yield
      }) : () -> ()
      %parallel_loop3A_126 = arith.constant 0 : i32
      %parallel_loop3A_127 = arith.constant 64 : i32
      %parallel_loop3A_128 = arith.constant 1 : i32
      scf.for %parallel_loop3A_163 = %parallel_loop3A_126 to %parallel_loop3A_127 step %parallel_loop3A_128  : i32 {
        %parallel_loop3A_164 = arith.constant 16 : i32
        %parallel_loop3A_165 = arith.muli %parallel_loop3A_163, %parallel_loop3A_164 : i32
        %parallel_loop3A_166 = arith.index_cast %parallel_loop3A_165 : i32 to index
        %parallel_loop3A_167 = tpu.vector_load %arg6[%parallel_loop3A_166] {strides = array<i32>} : memref<1024xi32, #tpu.memory_space<vmem>>, vector<16xi32>,
        %parallel_loop3A_168 = arith.constant 2 : i32
        %parallel_loop3A_169 = vector.broadcast %parallel_loop3A_168 : i32 to vector<16xi32>
        %parallel_loop3A_170 = arith.shrsi %parallel_loop3A_167, %parallel_loop3A_169 : vector<16xi32>
        %parallel_loop3A_171 = arith.constant 16 : i32
        %parallel_loop3A_172 = arith.muli %parallel_loop3A_163, %parallel_loop3A_171 : i32
        %parallel_loop3A_173 = arith.index_cast %parallel_loop3A_172 : i32 to index
        %parallel_loop3A_174 = tpu.vector_load %arg7[%parallel_loop3A_173] {strides = array<i32>} : memref<1024xi32, #tpu.memory_space<vmem>>, vector<16xi32>,
        tpu.vector_store %arg7[%parallel_loop3A_173], %parallel_loop3A_170 {strides = array<i32>} : memref<1024xi32, #tpu.memory_space<vmem>>, vector<16xi32>,
        %parallel_loop3A_175 = arith.constant 4 : i32
        %parallel_loop3A_176 = vector.broadcast %parallel_loop3A_175 : i32 to vector<16xi32>
        %parallel_loop3A_177 = arith.shrsi %parallel_loop3A_167, %parallel_loop3A_176 : vector<16xi32>
        %parallel_loop3A_178 = arith.constant 16 : i32
        %parallel_loop3A_179 = arith.muli %parallel_loop3A_163, %parallel_loop3A_178 : i32
        %parallel_loop3A_180 = arith.index_cast %parallel_loop3A_179 : i32 to index
        %parallel_loop3A_181 = tpu.vector_load %arg8[%parallel_loop3A_180] {strides = array<i32>} : memref<1024xi32, #tpu.memory_space<vmem>>, vector<16xi32>,
        tpu.vector_store %arg8[%parallel_loop3A_180], %parallel_loop3A_177 {strides = array<i32>} : memref<1024xi32, #tpu.memory_space<vmem>>, vector<16xi32>,
        %parallel_loop3A_182 = arith.constant 3 : i32
        %parallel_loop3A_183 = vector.broadcast %parallel_loop3A_182 : i32 to vector<16xi32>
        %parallel_loop3A_184 = arith.andi %parallel_loop3A_167, %parallel_loop3A_183 : vector<16xi32>
        %parallel_loop3A_185 = arith.constant 2 : i32
        %parallel_loop3A_186 = vector.broadcast %parallel_loop3A_185 : i32 to vector<16xi32>
        %parallel_loop3A_187 = arith.shli %parallel_loop3A_184, %parallel_loop3A_186 : vector<16xi32>
        %parallel_loop3A_188 = arith.constant 16 : i32
        %parallel_loop3A_189 = arith.muli %parallel_loop3A_163, %parallel_loop3A_188 : i32
        %parallel_loop3A_190 = arith.index_cast %parallel_loop3A_189 : i32 to index
        %parallel_loop3A_191 = tpu.vector_load %arg11[%parallel_loop3A_190] {strides = array<i32>} : memref<1024xi32, #tpu.memory_space<vmem>>, vector<16xi32>,
        tpu.vector_store %arg11[%parallel_loop3A_190], %parallel_loop3A_187 {strides = array<i32>} : memref<1024xi32, #tpu.memory_space<vmem>>, vector<16xi32>,
      } {sc.loop_unroll_factor = 2 : i64, sc.parallel_access}
      %dma_start3A_129 = arith.constant 0 : i32
      %dma_start3A_130 = arith.constant 0 : i32
      %dma_start3A_131 = tpu.memref_slice %arg3[%dma_start3A_129, %dma_start3A_130] : memref<250000x64xi8, #tpu.memory_space<hbm>> -> memref<250000x64xi8, #tpu.memory_space<hbm>>
      tpu.enqueue_indirect_dma source(%dma_start3A_131 : memref<250000x64xi8, #tpu.memory_space<hbm>>) target(%arg9 : memref<1024x64xi8, #tpu.memory_space<vmem>>) offsets(%arg7 : memref<1024xi32, #tpu.memory_space<vmem>>) semaphore(%arg20 : memref<!tpu.dma_semaphore, #tpu.memory_space<semaphore_mem>>)
      %dma_start3A_132 = arith.constant 0 : i32
      %dma_start3A_133 = arith.constant 0 : i32
      %dma_start3A_134 = tpu.memref_slice %arg4[%dma_start3A_132, %dma_start3A_133] : memref<62500x16xf32, #tpu.memory_space<hbm>> -> memref<62500x16xf32, #tpu.memory_space<hbm>>
      tpu.enqueue_indirect_dma source(%dma_start3A_134 : memref<62500x16xf32, #tpu.memory_space<hbm>>) target(%arg10 : memref<1024x16xf32, #tpu.memory_space<vmem>>) offsets(%arg8 : memref<1024xi32, #tpu.memory_space<vmem>>) semaphore(%arg20 : memref<!tpu.dma_semaphore, #tpu.memory_space<semaphore_mem>>)
      %add3A_135 = arith.constant 1 : i32
      %add3A_136 = arith.addi %add3A_68, %add3A_135 : i32
      %shift_right_arithmetic3A_137 = arith.constant 4 : i32
      %shift_right_arithmetic3A_138 = arith.shrsi %add3A_136, %shift_right_arithmetic3A_137 : i32
      %and3A_139 = arith.constant 15 : i32
      %and3A_140 = arith.andi %add3A_136, %and3A_139 : i32
      %dma_wait3A_141 = arith.constant 0 : i32
      %dma_wait3A_142 = arith.constant 0 : i32
      %dma_wait3A_143 = tpu.memref_slice %arg3[%dma_wait3A_141, %dma_wait3A_142] : memref<250000x64xi8, #tpu.memory_space<hbm>> -> memref<250000x64xi8, #tpu.memory_space<hbm>>
      tpu.wait_indirect_dma semaphore(%arg21 : memref<!tpu.dma_semaphore, #tpu.memory_space<semaphore_mem>>) src(%dma_wait3A_143 : memref<250000x64xi8, #tpu.memory_space<hbm>>) dst(%arg15 : memref<1024x64xi8, #tpu.memory_space<vmem>>)
      %dma_wait3A_144 = arith.constant 0 : i32
      %dma_wait3A_145 = arith.constant 0 : i32
      %dma_wait3A_146 = tpu.memref_slice %arg4[%dma_wait3A_144, %dma_wait3A_145] : memref<62500x16xf32, #tpu.memory_space<hbm>> -> memref<62500x16xf32, #tpu.memory_space<hbm>>
      tpu.wait_indirect_dma semaphore(%arg21 : memref<!tpu.dma_semaphore, #tpu.memory_space<semaphore_mem>>) src(%dma_wait3A_146 : memref<62500x16xf32, #tpu.memory_space<hbm>>) dst(%arg16 : memref<1024x16xf32, #tpu.memory_space<vmem>>)
      %parallel_loop3A_147 = arith.constant 0 : i32
      %parallel_loop3A_148 = arith.constant 64 : i32
      %parallel_loop3A_149 = arith.constant 1 : i32
      scf.for %parallel_loop3A_163 = %parallel_loop3A_147 to %parallel_loop3A_148 step %parallel_loop3A_149  : i32 {
        %parallel_loop3A_164 = arith.constant 16 : i32
        %parallel_loop3A_165 = arith.muli %parallel_loop3A_163, %parallel_loop3A_164 : i32
        %parallel_loop3A_166 = arith.index_cast %parallel_loop3A_165 : i32 to index
        %parallel_loop3A_167 = tpu.vector_load %arg12[%parallel_loop3A_166] {strides = array<i32>} : memref<1024xi32, #tpu.memory_space<vmem>>, vector<16xi32>,
        %parallel_loop3A_168 = arith.constant 16 : i32
        %parallel_loop3A_169 = arith.muli %parallel_loop3A_163, %parallel_loop3A_168 : i32
        %parallel_loop3A_170 = vector.broadcast %parallel_loop3A_169 : i32 to vector<16xi32>
        %parallel_loop3A_171 = arith.addi %iota3A, %parallel_loop3A_170 : vector<16xi32>
        %parallel_loop3A_172 = arith.constant 15 : i32
        %parallel_loop3A_173 = vector.broadcast %parallel_loop3A_172 : i32 to vector<16xi32>
        %parallel_loop3A_174 = arith.andi %parallel_loop3A_167, %parallel_loop3A_173 : vector<16xi32>
        %parallel_loop3A_175 = tpu.vector_load_idx %arg16[%parallel_loop3A_171, %parallel_loop3A_174] : memref<1024x16xf32, #tpu.memory_space<vmem>>[vector<16xi32>, vector<16xi32>], vector<16xf32>,
        %parallel_loop3A_176 = arith.constant 16 : i32
        %parallel_loop3A_177 = arith.muli %parallel_loop3A_163, %parallel_loop3A_176 : i32
        %parallel_loop3A_178 = arith.index_cast %parallel_loop3A_177 : i32 to index
        %parallel_loop3A_179 = tpu.vector_load %arg18[%parallel_loop3A_178] {strides = array<i32>} : memref<1024xf32, #tpu.memory_space<vmem>>, vector<16xf32>,
        tpu.vector_store %arg18[%parallel_loop3A_178], %parallel_loop3A_175 {strides = array<i32>} : memref<1024xf32, #tpu.memory_space<vmem>>, vector<16xf32>,
      } {sc.loop_unroll_factor = 2 : i64, sc.parallel_access}
      %gt3A_150 = arith.cmpi sgt, %add3A_136, %mul3A_2 : i32
      %convert_element_type3A_151 = arith.extui %gt3A_150 : i1 to i32
      %cond3A_152 = arith.constant 0 : i32
      %cond3A_153 = arith.cmpi ne, %convert_element_type3A_151, %cond3A_152 : i32
      scf.if %cond3A_153 {
        %dma_wait3A_163 = arith.constant 0 : i32
        %dma_wait3A_164 = arith.constant 0 : i32
        %dma_wait3A_165 = tpu.memref_slice %arg5[%dma_wait3A_163, %dma_wait3A_164] : memref<800x16384xf32, #tpu.memory_space<hbm>> -> memref<16x1024xf32, #tpu.memory_space<hbm>>
        %dma_wait3A_166 = arith.constant 0 : i32
        %dma_wait3A_167 = arith.constant 0 : i32
        %dma_wait3A_168 = tpu.memref_slice %arg5[%dma_wait3A_166, %dma_wait3A_167] : memref<800x16384xf32, #tpu.memory_space<hbm>> -> memref<16x1024xf32, #tpu.memory_space<hbm>>
        tpu.wait_dma2 semaphore(%arg22 : memref<!tpu.dma_semaphore, #tpu.memory_space<semaphore_mem>>) src(%dma_wait3A_168 : memref<16x1024xf32, #tpu.memory_space<hbm>>) dst(%arg19 : memref<16x1024xf32, #tpu.memory_space<vmem>>)
      } else {
      }
      %parallel_loop3A_154 = arith.constant 0 : i32
      %parallel_loop3A_155 = arith.constant 1024 : i32
      %parallel_loop3A_156 = arith.constant 1 : i32
      scf.for %parallel_loop3A_163 = %parallel_loop3A_154 to %parallel_loop3A_155 step %parallel_loop3A_156  : i32 {
        %parallel_loop3A_164 = arith.index_cast %parallel_loop3A_163 : i32 to index
        %parallel_loop3A_165 = arith.constant 0 : index
        %parallel_loop3A_166 = tpu.vector_load %arg15[%parallel_loop3A_164, %parallel_loop3A_165] {strides = array<i32>} : memref<1024x64xi8, #tpu.memory_space<vmem>>, vector<64xi8>,
        %parallel_loop3A_167 = vector.bitcast %parallel_loop3A_166 : vector<64xi8> to vector<16xi32>
        %parallel_loop3A_168 = arith.constant 0 : i32
        %parallel_loop3A_169 = vector.broadcast %parallel_loop3A_168 : i32 to vector<16xi32>
        %parallel_loop3A_170 = arith.muli %iota3A, %parallel_loop3A_169 : vector<16xi32>
        %parallel_loop3A_171 = vector.broadcast %parallel_loop3A_163 : i32 to vector<16xi32>
        %parallel_loop3A_172 = arith.addi %parallel_loop3A_170, %parallel_loop3A_171 : vector<16xi32>
        %parallel_loop3A_173 = tpu.vector_load_idx %arg17[%parallel_loop3A_172] : memref<1024xi32, #tpu.memory_space<vmem>>[vector<16xi32>], vector<16xi32>,
        %parallel_loop3A_174 = arith.addi %parallel_loop3A_173, %shift_right_arithmetic3A_4 : vector<16xi32>
        %parallel_loop3A_175 = vector.shape_cast %parallel_loop3A_174 : vector<16xi32> to vector<16x1xi32>
        %parallel_loop3A_176 = vector.shape_cast %parallel_loop3A_175 : vector<16x1xi32> to vector<16xi32>
        %parallel_loop3A_177 = tpu.dynamic_gather %parallel_loop3A_167[%parallel_loop3A_176] in [0] : vector<16xi32>, vector<16xi32> -> vector<16xi32>
        %parallel_loop3A_178 = arith.constant 0 : i32
        %parallel_loop3A_179 = vector.broadcast %parallel_loop3A_178 : i32 to vector<16xi32>
        %parallel_loop3A_180 = arith.muli %iota3A, %parallel_loop3A_179 : vector<16xi32>
        %parallel_loop3A_181 = vector.broadcast %parallel_loop3A_163 : i32 to vector<16xi32>
        %parallel_loop3A_182 = arith.addi %parallel_loop3A_180, %parallel_loop3A_181 : vector<16xi32>
        %parallel_loop3A_183 = tpu.vector_load_idx %arg18[%parallel_loop3A_182] : memref<1024xf32, #tpu.memory_space<vmem>>[vector<16xi32>], vector<16xf32>,
        %parallel_loop3A_184 = arith.shli %parallel_loop3A_177, %sub3A_11 : vector<16xi32>
        %parallel_loop3A_185 = arith.constant 24 : i32
        %parallel_loop3A_186 = vector.broadcast %parallel_loop3A_185 : i32 to vector<16xi32>
        %parallel_loop3A_187 = arith.shrsi %parallel_loop3A_184, %parallel_loop3A_186 : vector<16xi32>
        %parallel_loop3A_188 = arith.sitofp %parallel_loop3A_187 : vector<16xi32> to vector<16xf32>
        %parallel_loop3A_189 = arith.mulf %parallel_loop3A_188, %parallel_loop3A_183 : vector<16xf32>
        %parallel_loop3A_190 = arith.constant 0 : i32
        %parallel_loop3A_191 = vector.broadcast %parallel_loop3A_190 : i32 to vector<16xi32>
        %parallel_loop3A_192 = arith.muli %iota3A, %parallel_loop3A_191 : vector<16xi32>
        %parallel_loop3A_193 = vector.broadcast %parallel_loop3A_163 : i32 to vector<16xi32>
        %parallel_loop3A_194 = arith.addi %parallel_loop3A_192, %parallel_loop3A_193 : vector<16xi32>
        tpu.vector_store_idx %arg19[%iota3A, %parallel_loop3A_194], %parallel_loop3A_189 : memref<16x1024xf32, #tpu.memory_space<vmem>>[vector<16xi32>, vector<16xi32>], vector<16xf32>,
      } {sc.loop_unroll_factor = 4 : i64, sc.parallel_access}
      %mul3A_157 = arith.constant 16 : i32
      %mul3A_158 = arith.muli %shift_right_arithmetic3A_138, %mul3A_157 : i32
      %mul3A_159 = arith.constant 1024 : i32
      %mul3A_160 = arith.muli %and3A_140, %mul3A_159 : i32
      %dma_start3A_161 = tpu.memref_slice %arg5[%mul3A_158, %mul3A_160] : memref<800x16384xf32, #tpu.memory_space<hbm>> -> memref<16x1024xf32, #tpu.memory_space<hbm>>
      %dma_start3A_162 = tpu.memref_slice %arg5[%mul3A_158, %mul3A_160] : memref<800x16384xf32, #tpu.memory_space<hbm>> -> memref<16x1024xf32, #tpu.memory_space<hbm>>
      tpu.enqueue_dma source(%arg19 : memref<16x1024xf32, #tpu.memory_space<vmem>>) target(%dma_start3A_162 : memref<16x1024xf32, #tpu.memory_space<hbm>>) target_semaphore(%arg22 : memref<!tpu.dma_semaphore, #tpu.memory_space<semaphore_mem>>)
    }
    %scan3A_32 = arith.constant 12 : i32
    %add3A_33 = arith.constant 25 : i32
    %add3A_34 = arith.addi %mul3A_2, %add3A_33 : i32
    %sub3A_35 = arith.constant 1 : i32
    %sub3A_36 = arith.subi %add3A_34, %sub3A_35 : i32
    %shift_right_arithmetic3A_37 = arith.constant 4 : i32
    %shift_right_arithmetic3A_38 = arith.shrsi %sub3A_36, %shift_right_arithmetic3A_37 : i32
    %and3A_39 = arith.constant 15 : i32
    %and3A_40 = arith.andi %sub3A_36, %and3A_39 : i32
    %dma_wait3A = arith.constant 0 : i32
    %dma_wait3A_41 = arith.constant 0 : i32
    %dma_wait3A_42 = tpu.memref_slice %arg3[%dma_wait3A, %dma_wait3A_41] : memref<250000x64xi8, #tpu.memory_space<hbm>> -> memref<250000x64xi8, #tpu.memory_space<hbm>>
    tpu.wait_indirect_dma semaphore(%arg20 : memref<!tpu.dma_semaphore, #tpu.memory_space<semaphore_mem>>) src(%dma_wait3A_42 : memref<250000x64xi8, #tpu.memory_space<hbm>>) dst(%arg9 : memref<1024x64xi8, #tpu.memory_space<vmem>>)
    %dma_wait3A_43 = arith.constant 0 : i32
    %dma_wait3A_44 = arith.constant 0 : i32
    %dma_wait3A_45 = tpu.memref_slice %arg4[%dma_wait3A_43, %dma_wait3A_44] : memref<62500x16xf32, #tpu.memory_space<hbm>> -> memref<62500x16xf32, #tpu.memory_space<hbm>>
    tpu.wait_indirect_dma semaphore(%arg20 : memref<!tpu.dma_semaphore, #tpu.memory_space<semaphore_mem>>) src(%dma_wait3A_45 : memref<62500x16xf32, #tpu.memory_space<hbm>>) dst(%arg10 : memref<1024x16xf32, #tpu.memory_space<vmem>>)
    %parallel_loop3A_46 = arith.constant 0 : i32
    %parallel_loop3A_47 = arith.constant 64 : i32
    %parallel_loop3A_48 = arith.constant 1 : i32
    scf.for %parallel_loop3A_65 = %parallel_loop3A_46 to %parallel_loop3A_47 step %parallel_loop3A_48  : i32 {
      %parallel_loop3A_66 = arith.constant 16 : i32
      %parallel_loop3A_67 = arith.muli %parallel_loop3A_65, %parallel_loop3A_66 : i32
      %parallel_loop3A_68 = arith.index_cast %parallel_loop3A_67 : i32 to index
      %parallel_loop3A_69 = tpu.vector_load %arg6[%parallel_loop3A_68] {strides = array<i32>} : memref<1024xi32, #tpu.memory_space<vmem>>, vector<16xi32>,
      %parallel_loop3A_70 = arith.constant 16 : i32
      %parallel_loop3A_71 = arith.muli %parallel_loop3A_65, %parallel_loop3A_70 : i32
      %parallel_loop3A_72 = vector.broadcast %parallel_loop3A_71 : i32 to vector<16xi32>
      %parallel_loop3A_73 = arith.addi %iota3A, %parallel_loop3A_72 : vector<16xi32>
      %parallel_loop3A_74 = arith.constant 15 : i32
      %parallel_loop3A_75 = vector.broadcast %parallel_loop3A_74 : i32 to vector<16xi32>
      %parallel_loop3A_76 = arith.andi %parallel_loop3A_69, %parallel_loop3A_75 : vector<16xi32>
      %parallel_loop3A_77 = tpu.vector_load_idx %arg10[%parallel_loop3A_73, %parallel_loop3A_76] : memref<1024x16xf32, #tpu.memory_space<vmem>>[vector<16xi32>, vector<16xi32>], vector<16xf32>,
      %parallel_loop3A_78 = arith.constant 16 : i32
      %parallel_loop3A_79 = arith.muli %parallel_loop3A_65, %parallel_loop3A_78 : i32
      %parallel_loop3A_80 = arith.index_cast %parallel_loop3A_79 : i32 to index
      %parallel_loop3A_81 = tpu.vector_load %arg18[%parallel_loop3A_80] {strides = array<i32>} : memref<1024xf32, #tpu.memory_space<vmem>>, vector<16xf32>,
      tpu.vector_store %arg18[%parallel_loop3A_80], %parallel_loop3A_77 {strides = array<i32>} : memref<1024xf32, #tpu.memory_space<vmem>>, vector<16xf32>,
    } {sc.loop_unroll_factor = 2 : i64, sc.parallel_access}
    %gt3A = arith.cmpi sgt, %sub3A_36, %mul3A_2 : i32
    %convert_element_type3A = arith.extui %gt3A : i1 to i32
    %cond3A = arith.constant 0 : i32
    %cond3A_49 = arith.cmpi ne, %convert_element_type3A, %cond3A : i32
    scf.if %cond3A_49 {
      %dma_wait3A_65 = arith.constant 0 : i32
      %dma_wait3A_66 = arith.constant 0 : i32
      %dma_wait3A_67 = tpu.memref_slice %arg5[%dma_wait3A_65, %dma_wait3A_66] : memref<800x16384xf32, #tpu.memory_space<hbm>> -> memref<16x1024xf32, #tpu.memory_space<hbm>>
      %dma_wait3A_68 = arith.constant 0 : i32
      %dma_wait3A_69 = arith.constant 0 : i32
      %dma_wait3A_70 = tpu.memref_slice %arg5[%dma_wait3A_68, %dma_wait3A_69] : memref<800x16384xf32, #tpu.memory_space<hbm>> -> memref<16x1024xf32, #tpu.memory_space<hbm>>
      tpu.wait_dma2 semaphore(%arg22 : memref<!tpu.dma_semaphore, #tpu.memory_space<semaphore_mem>>) src(%dma_wait3A_70 : memref<16x1024xf32, #tpu.memory_space<hbm>>) dst(%arg19 : memref<16x1024xf32, #tpu.memory_space<vmem>>)
    } else {
    }
    %parallel_loop3A_50 = arith.constant 0 : i32
    %parallel_loop3A_51 = arith.constant 1024 : i32
    %parallel_loop3A_52 = arith.constant 1 : i32
    scf.for %parallel_loop3A_65 = %parallel_loop3A_50 to %parallel_loop3A_51 step %parallel_loop3A_52  : i32 {
      %parallel_loop3A_66 = arith.index_cast %parallel_loop3A_65 : i32 to index
      %parallel_loop3A_67 = arith.constant 0 : index
      %parallel_loop3A_68 = tpu.vector_load %arg9[%parallel_loop3A_66, %parallel_loop3A_67] {strides = array<i32>} : memref<1024x64xi8, #tpu.memory_space<vmem>>, vector<64xi8>,
      %parallel_loop3A_69 = vector.bitcast %parallel_loop3A_68 : vector<64xi8> to vector<16xi32>
      %parallel_loop3A_70 = arith.constant 0 : i32
      %parallel_loop3A_71 = vector.broadcast %parallel_loop3A_70 : i32 to vector<16xi32>
      %parallel_loop3A_72 = arith.muli %iota3A, %parallel_loop3A_71 : vector<16xi32>
      %parallel_loop3A_73 = vector.broadcast %parallel_loop3A_65 : i32 to vector<16xi32>
      %parallel_loop3A_74 = arith.addi %parallel_loop3A_72, %parallel_loop3A_73 : vector<16xi32>
      %parallel_loop3A_75 = tpu.vector_load_idx %arg11[%parallel_loop3A_74] : memref<1024xi32, #tpu.memory_space<vmem>>[vector<16xi32>], vector<16xi32>,
      %parallel_loop3A_76 = arith.addi %parallel_loop3A_75, %shift_right_arithmetic3A_4 : vector<16xi32>
      %parallel_loop3A_77 = vector.shape_cast %parallel_loop3A_76 : vector<16xi32> to vector<16x1xi32>
      %parallel_loop3A_78 = vector.shape_cast %parallel_loop3A_77 : vector<16x1xi32> to vector<16xi32>
      %parallel_loop3A_79 = tpu.dynamic_gather %parallel_loop3A_69[%parallel_loop3A_78] in [0] : vector<16xi32>, vector<16xi32> -> vector<16xi32>
      %parallel_loop3A_80 = arith.constant 0 : i32
      %parallel_loop3A_81 = vector.broadcast %parallel_loop3A_80 : i32 to vector<16xi32>
      %parallel_loop3A_82 = arith.muli %iota3A, %parallel_loop3A_81 : vector<16xi32>
      %parallel_loop3A_83 = vector.broadcast %parallel_loop3A_65 : i32 to vector<16xi32>
      %parallel_loop3A_84 = arith.addi %parallel_loop3A_82, %parallel_loop3A_83 : vector<16xi32>
      %parallel_loop3A_85 = tpu.vector_load_idx %arg18[%parallel_loop3A_84] : memref<1024xf32, #tpu.memory_space<vmem>>[vector<16xi32>], vector<16xf32>,
      %parallel_loop3A_86 = arith.shli %parallel_loop3A_79, %sub3A_11 : vector<16xi32>
      %parallel_loop3A_87 = arith.constant 24 : i32
      %parallel_loop3A_88 = vector.broadcast %parallel_loop3A_87 : i32 to vector<16xi32>
      %parallel_loop3A_89 = arith.shrsi %parallel_loop3A_86, %parallel_loop3A_88 : vector<16xi32>
      %parallel_loop3A_90 = arith.sitofp %parallel_loop3A_89 : vector<16xi32> to vector<16xf32>
      %parallel_loop3A_91 = arith.mulf %parallel_loop3A_90, %parallel_loop3A_85 : vector<16xf32>
      %parallel_loop3A_92 = arith.constant 0 : i32
      %parallel_loop3A_93 = vector.broadcast %parallel_loop3A_92 : i32 to vector<16xi32>
      %parallel_loop3A_94 = arith.muli %iota3A, %parallel_loop3A_93 : vector<16xi32>
      %parallel_loop3A_95 = vector.broadcast %parallel_loop3A_65 : i32 to vector<16xi32>
      %parallel_loop3A_96 = arith.addi %parallel_loop3A_94, %parallel_loop3A_95 : vector<16xi32>
      tpu.vector_store_idx %arg19[%iota3A, %parallel_loop3A_96], %parallel_loop3A_91 : memref<16x1024xf32, #tpu.memory_space<vmem>>[vector<16xi32>, vector<16xi32>], vector<16xf32>,
    } {sc.loop_unroll_factor = 4 : i64, sc.parallel_access}
    %mul3A_53 = arith.constant 16 : i32
    %mul3A_54 = arith.muli %shift_right_arithmetic3A_38, %mul3A_53 : i32
    %mul3A_55 = arith.constant 1024 : i32
    %mul3A_56 = arith.muli %and3A_40, %mul3A_55 : i32
    %dma_start3A_57 = tpu.memref_slice %arg5[%mul3A_54, %mul3A_56] : memref<800x16384xf32, #tpu.memory_space<hbm>> -> memref<16x1024xf32, #tpu.memory_space<hbm>>
    %dma_start3A_58 = tpu.memref_slice %arg5[%mul3A_54, %mul3A_56] : memref<800x16384xf32, #tpu.memory_space<hbm>> -> memref<16x1024xf32, #tpu.memory_space<hbm>>
    tpu.enqueue_dma source(%arg19 : memref<16x1024xf32, #tpu.memory_space<vmem>>) target(%dma_start3A_58 : memref<16x1024xf32, #tpu.memory_space<hbm>>) target_semaphore(%arg22 : memref<!tpu.dma_semaphore, #tpu.memory_space<semaphore_mem>>)
    %dma_wait3A_59 = arith.constant 0 : i32
    %dma_wait3A_60 = arith.constant 0 : i32
    %dma_wait3A_61 = tpu.memref_slice %arg5[%dma_wait3A_59, %dma_wait3A_60] : memref<800x16384xf32, #tpu.memory_space<hbm>> -> memref<16x1024xf32, #tpu.memory_space<hbm>>
    %dma_wait3A_62 = arith.constant 0 : i32
    %dma_wait3A_63 = arith.constant 0 : i32
    %dma_wait3A_64 = tpu.memref_slice %arg5[%dma_wait3A_62, %dma_wait3A_63] : memref<800x16384xf32, #tpu.memory_space<hbm>> -> memref<16x1024xf32, #tpu.memory_space<hbm>>
    tpu.wait_dma2 semaphore(%arg22 : memref<!tpu.dma_semaphore, #tpu.memory_space<semaphore_mem>>) src(%dma_wait3A_64 : memref<16x1024xf32, #tpu.memory_space<hbm>>) dst(%arg19 : memref<16x1024xf32, #tpu.memory_space<vmem>>)
    return
  }
}

</mosaic_0001>

<sc_bundles>
// kernel: _run.3.cloned.1.call-start
scs
__scs_entry_jumppad:
0x0: {  	(pc) =	sbr.rel $0x88, $3  }
0x1: {  	(tag) =	ssettag $0x0;
	lr =	simm.s32 $0x1  }
0x2: {  	[smem:$0x3F9E] =	sst lr;
	_ =	strace $0xD0000000  }
0x3: {  	_ = 	snop  }
0x4: {  	_ = 	snop  }
0x5: {  	_ = 	snop  }
0x6: {  	_ = 	snop  }
0x7: {  	_ = 	snop  }
__scs_overlays_trampoline_lowered:
0x8: {  	[smem:$0x3FAD] =	sst s0  }
0x9: {  	[smem:$0x3FAE] =	sst s1  }
0xa: {  	[smem:$0x3FAF] =	sst s2  }
0xb: {  	[smem:$0x3FB0] =	sst s3  }
0xc: {  	[smem:$0x3FB1] =	sst s4  }
0xd: {  	[smem:$0x3FB2] =	sst s5  }
0xe: {  	[smem:$0x3FB3] =	sst s6  }
0xf: {  	[smem:$0x3FB4] =	sst s7  }
0x10: {  	[smem:$0x3FB5] =	sst s8  }
0x11: {  	[smem:$0x3FB6] =	sst s9;
	s0 =	simm.s32 @!p0 $0x0  }
0x12: {  	s1 =	sld [smem:$0x3F9C];
	s0 =	simm.s32 @p0 $0x1  }
0x13: {  	[smem:$0x3FB7] =	sst s0;
	s0 =	simm.s32 @!p1 $0x0  }
0x14: {  	s2 =	sld [smem:$0x3F9B];
	s0 =	simm.s32 @p1 $0x1  }
0x15: {  	[smem:$0x3FB8] =	sst s0;
	s0 =	simm.s32 @!p2 $0x0  }
0x16: {  	s3 =	sld [smem:$0x3FDB];
	s0 =	simm.s32 @p2 $0x1  }
0x17: {  	s4 =	simm.s32 $0x1BF5;
	[smem:$0x3FBA] =	sst s0  }
0x18: {  	s0 =	sld [smem:$0x3F9D];
	_ =	swait.ge [sflag:s4], $0x0  }
0x19: {  	s7 =	sld [smem:$0x3F9E]  }
0x1a: {  	s8 =	sadd.s32 $0xFFFFE003, lr  }
0x1b: {  	s9 =	sadd.s32 $0xFFFFFEF7, lr;
	s5 =	simm.s32 $0xFFFFFFFF;
	p2 =	slt.u32 s8, $0xFFFFF086  }
0x1c: {  	p1 =	slt.u32 s9, $0xF7A;
	s5 =	simm.s32 @!p2 $0x0  }
0x1d: {  	s5 =	simm.s32 @p1 $0x1;
	p0 =	seq.s32 s7, s2  }
0x1e: {  	s7 =	smul.u32 @!p0 $0xF7A, s2;
	p2 =	seq.s32 @!p0 s5, $0x0  }
0x1f: {  	s9 =	smul.u32 $0xF7A, s1;
	s8 =	simm.s32 @!p0 $0x1BF5;
	p2 =	por !p2, p0  }
0x20: {  	[sflag:s8] =	ssyncset.s32 @!p0 $0xFFFFF086;
	s6 =	sadd.s32 @!p0 s3, s7;
	s7 =	simm.s32 @!p0 $0x108  }
0x21: {  	s3 =	sadd.s32 s3, s9;
	s6 =	sadd.s32 @!p0 $0x88, s6;
	s7 =	simm.s32 @p2 $0x1082  }
0x22: {  	[simem:s7], [sflag:s8] =	dma.local @!p0 [hbm:s6], $0xF7A  }
0x23: {  	s9 =	sor.u32 $0xD0000000, s2;
	s6 =	simm.s32 $0x108;
	_ =	swait.ge @!p0 [sflag:s8], $0x0  }
0x24: {  	s3 =	sadd.s32 $0x88, s3;
	s6 =	simm.s32 @!p1 $0x1082;
	[sflag:s4] =	ssyncset.s32 $0xFFFFF086  }
0x25: {  	[simem:s6], [sflag:s4] =	dma.local [hbm:s3], $0xF7A  }
0x26: {  	[smem:$0x3F9E] =	sst s1;
	(tag) =	ssettag s2;
	_ =	strace s9  }
0x27: {  	s1 =	sld [smem:$0x3FAE]  }
0x28: {  	s2 =	sld [smem:$0x3FAF]  }
0x29: {  	s4 =	sld [smem:$0x3FB1]  }
0x2a: {  	p0 =	seq.s32 s5, $0x0;
	s5 =	sld [smem:$0x3FB2]  }
0x2b: {  	s6 =	sld [smem:$0x3FB3]  }
0x2c: {  	s7 =	sld [smem:$0x3FB4]  }
0x2d: {  	s3 =	simm.s32 $0x108;
	s8 =	sld [smem:$0x3FB5]  }
0x2e: {  	s3 =	simm.s32 @!p0 $0x1082;
	s9 =	sld [smem:$0x3FB6]  }
0x2f: {  	lr =	sadd.s32 s0, s3;
	s0 =	sld [smem:$0x3FAD]  }
0x30: {  	s3 =	sld [smem:$0x3FB0]  }
0x31: {  	[smem:$0x3FB9] =	sst s10  }
0x32: {  	s10 =	sld [smem:$0x3FB7];
	_ =	sdelay $0x3  }
0x33: {  	p0 =	seq.s32 s10, $0x1;
	s10 =	sld [smem:$0x3FB9];
	_ =	sdelay $0x3  }
0x34: {  	[smem:$0x3FB9] =	sst s10  }
0x35: {  	s10 =	sld [smem:$0x3FB8];
	_ =	sdelay $0x3  }
0x36: {  	p1 =	seq.s32 s10, $0x1;
	s10 =	sld [smem:$0x3FB9];
	_ =	sdelay $0x3  }
0x37: {  	[smem:$0x3FB9] =	sst s10  }
0x38: {  	s10 =	sld [smem:$0x3FBA]  }
0x39: {  	_ = 	snop;
	(pc) =	sbr.ind lr, $3  }
0x3a: {  	_ = 	snop  }
0x3b: {  	_ = 	snop  }
0x3c: {  	p2 =	seq.s32 s10, $0x1;
	s10 =	sld [smem:$0x3FB9]  }
0x3d: {  	_ =	shalt  }
0x3e: {  	_ =	shalt  }
0x3f: {  	_ =	shalt  }
0x40: {  	_ =	shalt  }
0x41: {  	_ =	shalt  }
0x42: {  	_ =	shalt  }
0x43: {  	_ =	shalt  }
0x44: {  	_ =	shalt  }
0x45: {  	_ =	shalt  }
0x46: {  	_ =	shalt  }
0x47: {  	_ =	shalt  }
0x48: {  	_ =	shalt  }
0x49: {  	_ =	shalt  }
0x4a: {  	_ =	shalt  }
0x4b: {  	_ =	shalt  }
0x4c: {  	_ =	shalt  }
0x4d: {  	_ =	shalt  }
0x4e: {  	_ =	shalt  }
0x4f: {  	_ =	shalt  }
0x50: {  	_ =	shalt  }
0x51: {  	_ =	shalt  }
0x52: {  	_ =	shalt  }
0x53: {  	_ =	shalt  }
0x54: {  	_ =	shalt  }
0x55: {  	_ =	shalt  }
0x56: {  	_ =	shalt  }
0x57: {  	_ =	shalt  }
0x58: {  	_ =	shalt  }
0x59: {  	_ =	shalt  }
0x5a: {  	_ =	shalt  }
0x5b: {  	_ =	shalt  }
0x5c: {  	_ =	shalt  }
0x5d: {  	_ =	shalt  }
0x5e: {  	_ =	shalt  }
0x5f: {  	_ =	shalt  }
0x60: {  	_ =	shalt  }
0x61: {  	_ =	shalt  }
0x62: {  	_ =	shalt  }
0x63: {  	_ =	shalt  }
0x64: {  	_ =	shalt  }
0x65: {  	_ =	shalt  }
0x66: {  	_ =	shalt  }
0x67: {  	_ =	shalt  }
0x68: {  	_ =	shalt  }
0x69: {  	_ =	shalt  }
0x6a: {  	_ =	shalt  }
0x6b: {  	_ =	shalt  }
0x6c: {  	_ =	shalt  }
0x6d: {  	_ =	shalt  }
0x6e: {  	_ =	shalt  }
0x6f: {  	_ =	shalt  }
0x70: {  	_ =	shalt  }
0x71: {  	_ =	shalt  }
0x72: {  	_ =	shalt  }
0x73: {  	_ =	shalt  }
0x74: {  	_ =	shalt  }
0x75: {  	_ =	shalt  }
0x76: {  	_ =	shalt  }
0x77: {  	_ =	shalt  }
0x78: {  	_ =	shalt  }
0x79: {  	_ =	shalt  }
0x7a: {  	_ =	shalt  }
0x7b: {  	_ =	shalt  }
0x7c: {  	_ =	shalt  }
0x7d: {  	_ =	shalt  }
0x7e: {  	_ =	shalt  }
0x7f: {  	_ =	shalt  }
0x80: {  	_ =	shalt  }
0x81: {  	_ =	shalt  }
0x82: {  	_ =	shalt  }
0x83: {  	_ =	shalt  }
0x84: {  	_ =	shalt  }
0x85: {  	_ =	shalt  }
0x86: {  	_ =	shalt  }
0x87: {  	_ =	shalt  }
.Lfunc_end0:
.L_simem_size_0:
called_computation_lowered:
.L_overlay_start_0:
0x88: {  	s2 =	sld [smem:$0x3FD9]  }
0x89: {  	s3 =	sld [smem:$0x3FFE];
	_ =	sdelay $0x1  }
0x8a: {  	s1 =	srdreg.scid  }
0x8b: {  	s0 =	sand.u32 $0x1, s1  }
0x8c: {  	s17 =	sshll.u32 s0, $0xA;
	s2 =	sadd.s32 s3, s2  }
0x8d: {  	s2 =	sadd.s32 s2, s17  }
0x8e: {  	[smem:$0x3FC5] =	sst s2  }
0x8f: {  	_ = 	snop  }
0x90: {  	s2 =	sld [smem:$0x3FC9]  }
0x91: {  	s18 =	sld [smem:$0x3FD0];
	(tm) =	ssettm $0x1  }
0x92: {  	s4 =	sld [smem:$0x3FFB];
	_ =	sdelay $0x3  }
0x93: {  	_ =	strace s4  }
0x94: {  	s4 =	sld [smem:$0x3FFC];
	_ =	sdelay $0x3  }
0x95: {  	_ =	strace s4  }
0x96: {  	s4 =	sld [smem:$0x3FFD];
	_ =	sdelay $0x3  }
0x97: {  	_ =	strace s4  }
0x98: {  	_ =	strace $0x8FFFFFFF  }
0x99: {  	s19 =	sld [smem:$0x3FDB];
	_ =	sdelay $0x1  }
0x9a: {  	s5 =	simm.s32 $_scs_section_size  }
0x9b: {  	s6 =	simm.s32 $_size__tile_overlayer_lowered;
	s7 =	simm.s32 $_tile_overlayer_lowered  }
0x9c: {  	s22 =	simm.s32 $0x1BFF;
	s21 =	sshll.u32 s7, $0x1;
	s4 =	sadd.s32 s5, s19  }
0x9d: {  	s8 =	simm.s32 $0x0;
	s20 =	sshll.u32 s6, $0x1;
	s6 =	sadd.s32 s21, s4  }
0x9e: {  	[timem:s8], [sflag:s22] =	dma.local [hbm:s6], s20  }
0x9f: {  	_ =	swait.ge [sflag:s22], s20  }
0xa0: {  	s5 =	ssub.s32 $0x0, s20;
	[sflag:s22] =	ssyncset.done $0x0  }
0xa1: {  	[sflag:s22] =	ssyncadd.s32 s5;
	_ =	sdelay $0x1  }
0xa2: {  	s23 =	simm.s32 $0x1B8B  }
0xa3: {  	_ =	swait.ge [sflag:s23], $0x1  }
0xa4: {  	[sflag:s23] =	ssyncset.done $0x0  }
0xa5: {  	s25 =	simm.s32 $0x1B8E;
	s24 =	sld [smem:$0x3FFE];
	[sflag:s23] =	ssyncadd.s32 $0xFFFFFFFF  }
0xa6: {  	s26 =	simm.s32 $execute0_lowered;
	[smem:$0x3FD2] =	sst s25  }
0xa7: {  	s6 =	sshll.u32 s26, $0x1;
	_ =	strace $0x80000046;
	[dreg:$0x1] =	wrdreg $0xFFFFFFFF  }
0xa8: {  	s28 =	simm.s32 $_size_execute0_lowered;
	s4 =	sadd.s32 s4, s6;
	[dreg:$0x0] =	wrdreg $0x0  }
0xa9: {  	s6 =	sshll.u32 s28, $0x1;
	[dreg:$0x2] =	wrdreg s4  }
0xaa: {  	[dreg:$0x3] =	wrdreg s6  }
0xab: {  	[dreg:$0x4] =	wrdreg $0xC0  }
0xac: {  	_ =	task [dreg:s8], $0x5FFFF  }
0xad: {  	[dreg:$0x1] =	wrdreg $0xFFFFFFFF  }
0xae: {  	[dreg:$0x0] =	wrdreg $0x60  }
0xaf: {  	[dreg:$0x2] =	wrdreg s2  }
0xb0: {  	[dreg:$0x3] =	wrdreg s18  }
0xb1: {  	[dreg:$0x4] =	wrdreg s24  }
0xb2: {  	[dreg:$0x5] =	wrdreg $0x9  }
0xb3: {  	_ =	task.clear_ibuf [dreg:s8], $0x6FFFF;
	_ =	strace $0x90000046  }
0xb4: {  	s29 =	simm.s32 $0x9;
	_ =	strace $0x80000048  }
0xb5: {  	_ =	swait.ge [sflag:s29], $0x1  }
0xb6: {  	[sflag:s29] =	ssyncadd.s32 $0xFFFFFFFF  }
0xb7: {  	_ =	strace $0x90000048  }
0xb8: {  	_ =	sfence  }
0xb9: {  	s30 =	sld [smem:$0x0];
	_ =	sdelay $0x2  }
0xba: {  	s31 =	sshll.u32 s1, $0xD;
	s1 =	sshrl.u32 s1, $0x2  }
0xbb: {  	s3 =	sand.u32 $0x4000, s31;
	s1 =	sadd.s32 s1, s30  }
0xbc: {  	s0 =	sor.u32 s3, s0;
	s1 =	sshll.u32 s1, $0x11  }
0xbd: {  	s0 =	sor.u32 s1, s0  }
0xbe: {  	s0 =	sadd.s32 $0x8F2B, s0  }
0xbf: {  	[sflag:s0] =	ssyncadd.remote.s32 $0x1  }
0xc0: {  	_ =	sfence.sel $0xFFFF  }
0xc1: {  	[dreg:$0x0] =	wrdreg $0xFFFFFFFF;
	(pc) =	sbr.abs _section_cstart, $3  }
0xc2: {  	[dreg:$0x1] =	wrdreg $0xFFFFFFFF  }
0xc3: {  	_ =	task.clear_ibuf [dreg:s8], $0x2FFFF;
	_ =	strace $0x9FFFFFFF  }
0xc4: {  	(tm) =	ssettm $0x7FFFFFFF  }
0xc5: {  	_ =	shalt  }
tec
execute0_lowered:
.L_overlay_start_1:
0x0: {  	(tag) =	ssettag $0x1  }
0x1: {  	s11 =	rddreg [dreg:$0x0]  }
0x2: {  	s3 =	rddreg [dreg:$0x1]  }
0x3: {  	s0 =	srdreg.scid;
	s2 =	stileid.u32  }
0x4: {  	s1 =	rddreg [dreg:$0x2];
	s4 =	simm.s32 $0x0;
	s12 =	simm.s32 $0x4  }
0x5: {  	s13 =	simm.s32 $0x400;
	s16 =	simm.s32 $0x4C00;
	s21 =	simm.s32 $0xDC00  }
0x6: {  	s22 =	simm.s32 $0x1;
	s28 =	simm.s32 $0x2;
	s29 =	simm.s32 $0x3  }
0x7: {  	s30 =	simm.s32 $0x11C00;
	s0 =	sand.u32 $0x1, s0;
	s2 =	sshll.u32 s2, $0x1  }
0x8: {  	[smem:$0x7FF] =	sst s4;
	s6 =	sadd.s32 $0x400, s1;
	s2 =	sor.u32 s0, s2  }
0x9: {  	s7 =	sadd.s32 $0x1EE00, s1;
	s0 =	ssub.s32 $0x2, s0;
	s5 =	smul.u32 $0x19, s2  }
0xa: {  	s1 =	simm.s32 $0x0;
	s8 =	smul.u32 $0x6400, s2;
	s23 =	sshrl.u32 s0, $0x1  }
0xb: {  	_ =	strace $0x80000047;
	s2 =	smul.u32 $0x2400, s2;
	s0 =	ssub.s32 s0, s23  }
0xc: {  	s23 =	simm.s32 $0x8C00;
	s9 =	sadd.s32 $0x18, s5;
	s8 =	sand.u32 $0xFC000, s8  }
0xd: {  	s2 =	sand.u32 $0x3C00, s2;
	s0 =	smax.u32 s0, $0x1;
	s10 =	sshll.u32 s9, $0x7  }
0xe: {  	v3 =	vlaneseq.u32;
	s2 =	sor.u32 s2, s8;
	s24 =	sshll.u32 s9, $0xB;
	[dreg:$0x6] =	wrdreg s0  }
0xf: {  	v0 =	vand.u32 $0x3, v3;
	s25 =	sand.u32 $0x780, s10;
	s2 =	sshrl.u32 s2, $0x3;
	s8 =	sand.u32 $0x3F8000, s24  }
0x10: {  	v2 =	vmul.u32 $0xFFFFFFF8, v0;
	s24 =	simm.s32 $0x12000;
	s9 =	sadd.s32 s7, s25;
	s26 =	sadd.s32 s11, s2  }
0x11: {  	v1 =	vshrl.u32 v3, $0x2;
	s11 =	sadd.s32 $0x100, s11;
	[dreg:$0x4] =	wrdreg s26;
	s31 =	sadd.s32 s8, s9  }
0x12: {  	v0 =	vmul.u32 $0x10, v3;
	v3 =	vmul.u32 $0x400, v3;
	v2 =	vadd.s32 $0x18, v2;
	s25 =	simm.s32 $0x12400;
	s26 =	simm.s32 $0x4000;
	[dreg:$0x5] =	wrdreg s31  }
.LBB2_1:
0x13: {  	[dreg:$0x7] =	wrdreg s1  }
0x14: {  	s0 =	rddreg [dreg:$0x4]  }
0x15: {  	[tilespmem:s4], [sflag:$0x4] =	stream.linear.gather [hbm4b:s0+s4], $0x400, $0x38;
	[tilespmem:$0x16400] =	vst v63  }
0x16: {  	_ =	swait.ge [sflag:s12], $0x400  }
0x17: {  	[sflag:s12] =	ssyncset.done $0x0  }
0x18: {  	s20 =	simm.s32 $0x10;
	[sflag:s12] =	ssyncadd.s32 $0xFFFFFC00  }
0x19: {  	v4 =	vld [tilespmem:s20+$0x0]  }
0x1a: {  	v5 =	vld [tilespmem:s20+$0xFFFFFFF0];
	_ =	sdelay $0x3  }
0x1b: {  	s0 =	simm.s32 $0x410;
	v6 =	vshra.s32 v4, $0x2  }
0x1c: {  	v7 =	vshra.s32 v5, $0x2;
	[tilespmem:s0+$0x0] =	vst v6  }
0x1d: {  	s31 =	simm.s32 $0x810;
	s2 =	simm.s32 $0x30;
	[tilespmem:s0+$0xFFFFFFF0] =	vst v7;
	v6 =	vshra.s32 v5, $0x4  }
0x1e: {  	v7 =	vshll.u32 v4, $0x2;
	[tilespmem:s31+$0xFFFFFFF0] =	vst v6;
	v6 =	vshra.s32 v4, $0x4;
	v4 =	vld [tilespmem:s2+$0x0]  }
0x1f: {  	v8 =	vshll.u32 v5, $0x2;
	v5 =	vld [tilespmem:s2+$0xFFFFFFF0]  }
0x20: {  	s10 =	simm.s32 $0x8C10;
	v7 =	vand.u32 $0xC, v7;
	[tilespmem:s31+$0x0] =	vst v6  }
0x21: {  	s9 =	simm.s32 $0x2;
	s8 =	simm.s32 $0x830;
	s1 =	simm.s32 $0x8C30;
	v6 =	vand.u32 $0xC, v8;
	[tilespmem:s10+$0x0] =	vst v7  }
.LBB2_2:
0x22: {  	s9 =	sadd.s32 $0x2, s9  }
0x23: {  	v7 =	vshra.s32 v4, $0x2;
	s2 =	sadd.s32 $0x20, s2;
	[tilespmem:s10+$0xFFFFFFF0] =	vst v6;
	s0 =	sadd.s32 $0x20, s0;
	v6 =	vmov v4;
	p0 =	slt.u32 s9, $0x3E  }
.Ltmp0:
0x24: {  	s10 =	smov.u32 s1;
	v4 =	vld [tilespmem:s2+$0x0];
	v8 =	vshra.s32 v5, $0x2;
	v9 =	vshll.u32 v5, $0x2;
	[tilespmem:s0+$0x0] =	vst v7;
	(pc) =	sbr.rel @p0 .LBB2_2-.Ltmp0, $4  }
0x25: {  	v7 =	vshra.s32 v5, $0x4;
	[tilespmem:s0+$0xFFFFFFF0] =	vst v8;
	v5 =	vld [tilespmem:s2+$0xFFFFFFF0]  }
0x26: {  	[tilespmem:s8+$0xFFFFFFF0] =	vst v7;
	v7 =	vshra.s32 v6, $0x4;
	v6 =	vshll.u32 v6, $0x2  }
0x27: {  	[tilespmem:s8+$0x0] =	vst v7;
	v7 =	vand.u32 $0xC, v6  }
0x28: {  	s1 =	sadd.s32 $0x20, s1;
	v6 =	vand.u32 $0xC, v9;
	s8 =	sadd.s32 $0x20, s8;
	[tilespmem:s10+$0x0] =	vst v7  }
0x29: {  	v7 =	vshra.s32 v4, $0x2;
	[tilespmem:s10+$0xFFFFFFF0] =	vst v6;
	s0 =	sadd.s32 $0x20, s0  }
0x2a: {  	v61 =	vshra.s32 v5, $0x2;
	[tilespmem:s0+$0x0] =	vst v7  }
0x2b: {  	v63 =	vshra.s32 v4, $0x4;
	[tilespmem:s0+$0xFFFFFFF0] =	vst v61  }
0x2c: {  	v4 =	vshll.u32 v4, $0x2;
	v62 =	vshra.s32 v5, $0x4;
	[tilespmem:s8+$0x0] =	vst v63  }
0x2d: {  	v5 =	vshll.u32 v5, $0x2;
	v4 =	vand.u32 $0xC, v4;
	[tilespmem:s8+$0xFFFFFFF0] =	vst v62  }
0x2e: {  	v5 =	vand.u32 $0xC, v5;
	[tilespmem:s1+$0x0] =	vst v4  }
0x2f: {  	s20 =	simm.s32 $0xC00;
	[tilespmem:s1+$0xFFFFFFF0] =	vst v5  }
0x30: {  	[tilespmem:s20], [sflag:$0x1] =	stream.indirect.gather [hbm4b:s3+s13], $0x10, s13, s13, $0xb8;
	[tilespmem:$0x16400] =	vst v63  }
0x31: {  	s31 =	simm.s32 $0x800;
	s2 =	simm.s32 $0x0  }
0x32: {  	[tilespmem:s16], [sflag:$0x1] =	stream.indirect.gather [hbm4b:s6+s13], $0x10, s31, s13, $0xb8;
	[tilespmem:$0x16400] =	vst v63  }
.LBB2_4:
0x33: {  	s0 =	sshll.u32 s2, $0x1  }
0x34: {  	s9 =	sadd.s32 s5, s0  }
0x35: {  	s0 =	sadd.s32 $0x1, s9  }
0x36: {  	s1 =	rddreg [dreg:$0x0];
	s8 =	sshll.u32 s0, $0x7  }
0x37: {  	s10 =	simm.s32 $0x9000;
	s1 =	sadd.s32 s1, s8  }
0x38: {  	[tilespmem:s10], [sflag:$0x4] =	stream.linear.gather [hbm4b:s1+s4], $0x400, $0x38;
	[tilespmem:$0x16400] =	vst v63  }
0x39: {  	_ =	swait.ge [sflag:s12], $0x400  }
0x3a: {  	[sflag:s12] =	ssyncset.done $0x0  }
0x3b: {  	s20 =	simm.s32 $0x9010;
	[sflag:s12] =	ssyncadd.s32 $0xFFFFFC00  }
0x3c: {  	v4 =	vld [tilespmem:s20+$0x0]  }
0x3d: {  	v5 =	vld [tilespmem:s20+$0xFFFFFFF0];
	_ =	sdelay $0x3  }
0x3e: {  	s1 =	simm.s32 $0x9410;
	v6 =	vshra.s32 v4, $0x2  }
0x3f: {  	v7 =	vshra.s32 v5, $0x2;
	[tilespmem:s1+$0x0] =	vst v6  }
0x40: {  	s31 =	simm.s32 $0x9810;
	s14 =	simm.s32 $0x9030;
	[tilespmem:s1+$0xFFFFFFF0] =	vst v7;
	v6 =	vshra.s32 v5, $0x4  }
0x41: {  	v7 =	vshll.u32 v4, $0x2;
	[tilespmem:s31+$0xFFFFFFF0] =	vst v6;
	v6 =	vshra.s32 v4, $0x4;
	v4 =	vld [tilespmem:s14+$0x0]  }
0x42: {  	v8 =	vshll.u32 v5, $0x2;
	v5 =	vld [tilespmem:s14+$0xFFFFFFF0]  }
0x43: {  	s19 =	simm.s32 $0x11C10;
	v7 =	vand.u32 $0xC, v7;
	[tilespmem:s31+$0x0] =	vst v6  }
0x44: {  	s18 =	simm.s32 $0x2;
	s17 =	simm.s32 $0x9830;
	s10 =	simm.s32 $0x11C30;
	v6 =	vand.u32 $0xC, v8;
	[tilespmem:s19+$0x0] =	vst v7  }
.LBB2_5:
0x45: {  	s18 =	sadd.s32 $0x2, s18  }
0x46: {  	v7 =	vshra.s32 v4, $0x2;
	s14 =	sadd.s32 $0x20, s14;
	[tilespmem:s19+$0xFFFFFFF0] =	vst v6;
	s1 =	sadd.s32 $0x20, s1;
	v6 =	vmov v4;
	p0 =	slt.u32 s18, $0x3E  }
.Ltmp1:
0x47: {  	s19 =	smov.u32 s10;
	v4 =	vld [tilespmem:s14+$0x0];
	v8 =	vshra.s32 v5, $0x2;
	v9 =	vshll.u32 v5, $0x2;
	[tilespmem:s1+$0x0] =	vst v7;
	(pc) =	sbr.rel @p0 .LBB2_5-.Ltmp1, $4  }
0x48: {  	v7 =	vshra.s32 v5, $0x4;
	[tilespmem:s1+$0xFFFFFFF0] =	vst v8;
	v5 =	vld [tilespmem:s14+$0xFFFFFFF0]  }
0x49: {  	[tilespmem:s17+$0xFFFFFFF0] =	vst v7;
	v7 =	vshra.s32 v6, $0x4;
	v6 =	vshll.u32 v6, $0x2  }
0x4a: {  	[tilespmem:s17+$0x0] =	vst v7;
	v7 =	vand.u32 $0xC, v6  }
0x4b: {  	s10 =	sadd.s32 $0x20, s10;
	v6 =	vand.u32 $0xC, v9;
	s17 =	sadd.s32 $0x20, s17;
	[tilespmem:s19+$0x0] =	vst v7  }
0x4c: {  	v7 =	vshra.s32 v4, $0x2;
	[tilespmem:s19+$0xFFFFFFF0] =	vst v6;
	s1 =	sadd.s32 $0x20, s1  }
0x4d: {  	v6 =	vshra.s32 v5, $0x2;
	[tilespmem:s1+$0x0] =	vst v7  }
0x4e: {  	[tilespmem:s1+$0xFFFFFFF0] =	vst v6;
	v6 =	vshra.s32 v5, $0x4  }
0x4f: {  	v5 =	vshll.u32 v5, $0x2;
	[tilespmem:s17+$0xFFFFFFF0] =	vst v6;
	v6 =	vshra.s32 v4, $0x4  }
0x50: {  	v4 =	vshll.u32 v4, $0x2;
	v5 =	vand.u32 $0xC, v5;
	[tilespmem:s17+$0x0] =	vst v6  }
0x51: {  	v4 =	vand.u32 $0xC, v4;
	[tilespmem:s10+$0xFFFFFFF0] =	vst v5  }
0x52: {  	s14 =	simm.s32 $0x9400;
	s15 =	simm.s32 $0x9C00;
	[tilespmem:s10+$0x0] =	vst v4  }
0x53: {  	[tilespmem:s15], [sflag:$0x2] =	stream.indirect.gather [hbm4b:s3+s13], $0x10, s14, s13, $0xb8;
	[tilespmem:$0x16400] =	vst v63  }
0x54: {  	s17 =	simm.s32 $0x9800  }
0x55: {  	[tilespmem:s21], [sflag:$0x2] =	stream.indirect.gather [hbm4b:s6+s13], $0x10, s17, s13, $0xb8;
	[tilespmem:$0x16400] =	vst v63  }
0x56: {  	_ =	swait.ge [sflag:s22], $0x4000  }
0x57: {  	[sflag:s22] =	ssyncset.done $0x0  }
0x58: {  	[sflag:s22] =	ssyncadd.s32 $0xFFFFC000  }
0x59: {  	_ =	swait.ge [sflag:s22], $0x4000  }
0x5a: {  	[sflag:s22] =	ssyncset.done $0x0  }
0x5b: {  	s18 =	simm.s32 $0x10;
	[sflag:s22] =	ssyncadd.s32 $0xFFFFC000  }
0x5c: {  	v4 =	vld [tilespmem:s18+$0xFFFFFFF0];
	_ =	sdelay $0x1  }
0x5d: {  	s19 =	simm.s32 $0x0;
	v5 =	vld [tilespmem:s18+$0x0]  }
0x5e: {  	v6 =	vmov s19  }
0x5f: {  	v6 =	vshll.u32 v6, $0x4  }
0x60: {  	s20 =	simm.s32 $0x30;
	v7 =	vmov s18;
	v6 =	vor.u32 v0, v6;
	v4 =	vand.u32 $0xF, v4  }
0x61: {  	v7 =	vshll.u32 v7, $0x4;
	v8 =	vld [tilespmem:s20+$0xFFFFFFF0];
	v4 =	vor.u32 v6, v4  }
0x62: {  	v5 =	vand.u32 $0xF, v5;
	v6 =	vor.u32 v0, v7;
	v7 =	vld [tilespmem:s20+$0x0]  }
0x63: {  	s31 =	simm.s32 $0x20;
	v5 =	vor.u32 v6, v5  }
0x64: {  	s10 =	simm.s32 $0x50;
	v6 =	vmov s31  }
0x65: {  	v10 =	vmov s20;
	v9 =	vshll.u32 v6, $0x4;
	v6 =	vld [tilespmem:s10+$0xFFFFFFF0]  }
0x66: {  	v10 =	vshll.u32 v10, $0x4;
	v8 =	vand.u32 $0xF, v8;
	v9 =	vor.u32 v0, v9;
	v4 =	vld.idx.msk [tilespmem:v4+s16+$0x0], $0xffff  }
0x67: {  	v10 =	vor.u32 v0, v10;
	s14 =	simm.s32 $0x40;
	v11 =	vand.u32 $0xF, v7;
	v7 =	vor.u32 v9, v8;
	v9 =	vld [tilespmem:s10+$0x0]  }
0x68: {  	s1 =	simm.s32 $0x12010;
	v12 =	vmov s14;
	v5 =	vld.idx.msk [tilespmem:v5+s16+$0x0], $0xffff;
	v8 =	vor.u32 v10, v11  }
0x69: {  	s14 =	simm.s32 $0x12010;
	s17 =	simm.s32 $0x4;
	s18 =	simm.s32 $0x70;
	v10 =	vshll.u32 v12, $0x4  }
.LBB2_7:
0x6a: {  	s17 =	sadd.s32 $0x2, s17  }
0x6b: {  	v10 =	vor.u32 v0, v10;
	v11 =	vand.u32 $0xF, v6;
	v6 =	vld [tilespmem:s18+$0xFFFFFFF0];
	v12 =	vmov s10;
	s1 =	sadd.s32 $0x20, s1;
	p0 =	slt.u32 s17, $0x3E  }
.Ltmp2:
0x6c: {  	v12 =	vshll.u32 v12, $0x4;
	[tilespmem:s14+$0xFFFFFFF0] =	vst v4;
	v4 =	vld.idx.msk [tilespmem:v7+s16+$0x0], $0xffff;
	v7 =	vor.u32 v10, v11;
	(pc) =	sbr.rel @p0 .LBB2_7-.Ltmp2, $4  }
0x6d: {  	s10 =	sadd.s32 $0x20, s10;
	v10 =	vor.u32 v0, v12;
	v11 =	vand.u32 $0xF, v9;
	[tilespmem:s14+$0x0] =	vst v5;
	v5 =	vld.idx.msk [tilespmem:v8+s16+$0x0], $0xffff;
	s14 =	smov.u32 s1  }
0x6e: {  	s19 =	sadd.s32 $0xFFFFFFF0, s10;
	v9 =	vld [tilespmem:s18+$0x0];
	v8 =	vor.u32 v10, v11  }
0x6f: {  	v10 =	vmov s19  }
0x70: {  	s18 =	sadd.s32 $0x20, s18;
	v10 =	vshll.u32 v10, $0x4  }
0x71: {  	v11 =	vmov s10  }
0x72: {  	v10 =	vor.u32 v0, v10;
	v6 =	vand.u32 $0xF, v6;
	v11 =	vshll.u32 v11, $0x4  }
0x73: {  	v6 =	vor.u32 v10, v6;
	v10 =	vor.u32 v0, v11;
	v9 =	vand.u32 $0xF, v9  }
0x74: {  	v9 =	vor.u32 v10, v9;
	_ =	sdelay $0x1  }
0x75: {  	v7 =	vld.idx.msk [tilespmem:v7+s16+$0x0], $0xffff  }
0x76: {  	v8 =	vld.idx.msk [tilespmem:v8+s16+$0x0], $0xffff  }
0x77: {  	v6 =	vld.idx.msk [tilespmem:v6+s16+$0x0], $0xffff  }
0x78: {  	[tilespmem:s14+$0xFFFFFFF0] =	vst v4;
	v4 =	vld.idx.msk [tilespmem:v9+s16+$0x0], $0xffff  }
0x79: {  	s1 =	sadd.s32 $0x20, s1;
	[tilespmem:s14+$0x0] =	vst v5  }
0x7a: {  	[tilespmem:s1+$0xFFFFFFF0] =	vst v7  }
0x7b: {  	s17 =	simm.s32 $0x0;
	s14 =	sadd.s32 $0x20, s1;
	[tilespmem:s1+$0x0] =	vst v8  }
0x7c: {  	p0 =	seq.s32 s2, $0x0;
	s18 =	simm.s32 $0x2;
	v5 =	vmov s17;
	[tilespmem:s14+$0xFFFFFFF0] =	vst v6  }
0x7d: {  	s10 =	simm.s32 @!p0 $0x3;
	v8 =	vmov s18;
	[tilespmem:s14+$0x0] =	vst v4  }
0x7e: {  	_ =	swait.ge @!p0 [sflag:s10], $0x4000  }
0x7f: {  	[sflag:s10] =	ssyncset.done @!p0 $0x0  }
0x80: {  	s15 =	simm.s32 $0x1;
	[sflag:s10] =	ssyncadd.s32 @!p0 $0xFFFFC000  }
0x81: {  	v4 =	vmov s15;
	s14 =	simm.s32 $0x3;
	v10 =	vld.idx.msk [tilespmem:v5+s23+$0x0], $0xffff  }
0x82: {  	s19 =	simm.s32 $0xC20;
	v7 =	vmov s14;
	v13 =	vld.idx.msk [tilespmem:v8+s23+$0x0], $0xffff  }
0x83: {  	v12 =	vld [tilespmem:s19+$0x10]  }
0x84: {  	v15 =	vld [tilespmem:s19+$0x0]  }
0x85: {  	v16 =	vld [tilespmem:s19+$0xFFFFFFE0]  }
0x86: {  	v11 =	vld.idx.msk [tilespmem:v4+s23+$0x0], $0xffff  }
0x87: {  	v9 =	vld.idx.msk [tilespmem:v7+s23+$0x0], $0xffff  }
0x88: {  	v14 =	vld [tilespmem:s19+$0xFFFFFFF0]  }
0x89: {  	v23 =	vor.u32 s15, v3;
	s15 =	simm.s32 $0x6;
	s10 =	simm.s32 $0x4  }
0x8a: {  	v24 =	vor.u32 s18, v3;
	v22 =	vmov s10;
	v18 =	vld.idx.msk [tilespmem:v7+s24+$0x0], $0xffff;
	v7 =	vmov s15  }
0x8b: {  	v13 =	vadd.s32 v1, v13;
	v10 =	vadd.s32 v1, v10;
	v11 =	vadd.s32 v1, v11  }
0x8c: {  	s31 =	simm.s32 $0x7;
	v5 =	vld.idx.msk [tilespmem:v5+s24+$0x0], $0xffff;
	v13 =	vperm.xlane v15, v13;
	v10 =	vperm.xlane v16, v10;
	v17 =	vadd.s32 v1, v9  }
0x8d: {  	s20 =	simm.s32 $0x5;
	v8 =	vld.idx.msk [tilespmem:v8+s24+$0x0], $0xffff;
	v9 =	vmov s31;
	v11 =	vperm.xlane v14, v11;
	v17 =	vperm.xlane v12, v17  }
0x8e: {  	v6 =	vmov s20;
	v19 =	vor.u32 s14, v3;
	v4 =	vld.idx.msk [tilespmem:v4+s24+$0x0], $0xffff;
	v13 =	vshll.u32 v13, v2  }
0x8f: {  	v16 =	vld.idx.msk [tilespmem:v7+s23+$0x0], $0xffff;
	v10 =	vshll.u32 v10, v2;
	v11 =	vshll.u32 v11, v2;
	v14 =	vshll.u32 v17, v2  }
0x90: {  	s18 =	simm.s32 $0xC60;
	v12 =	vld.idx.msk [tilespmem:v22+s23+$0x0], $0xffff;
	v13 =	vshra.s32 v13, $0x18;
	v10 =	vshra.s32 v10, $0x18;
	v15 =	vshra.s32 v14, $0x18  }
0x91: {  	v11 =	vshra.s32 v11, $0x18;
	v17 =	vld [tilespmem:s18+$0x10];
	v13 =	vcvt.s32.f32 v13;
	v15 =	vcvt.s32.f32 v15  }
0x92: {  	v20 =	vcvt.s32.f32 v10;
	v11 =	vcvt.s32.f32 v11;
	v25 =	vld.idx.msk [tilespmem:v9+s23+$0x0], $0xffff  }
0x93: {  	s1 =	simm.s32 $0x8;
	v10 =	vor.u32 s17, v3;
	v14 =	vld.idx.msk [tilespmem:v6+s23+$0x0], $0xffff;
	v8 =	vmul.f32 v13, v8;
	v15 =	vmul.f32 v15, v18  }
0x94: {  	v21 =	vmov s1;
	v18 =	vld [tilespmem:s18+$0xFFFFFFF0]  }
0x95: {  	v11 =	vmul.f32 v11, v4;
	[tilespmem:v19+s25+$0x0] =	vst.idx.msk $0xffff, v15;
	v19 =	vld [tilespmem:s18+$0x0]  }
0x96: {  	s17 =	simm.s32 $0x9;
	v4 =	vor.u32 s20, v3;
	[tilespmem:v24+s25+$0x0] =	vst.idx.msk $0xffff, v8;
	v15 =	vmul.f32 v20, v5;
	v20 =	vld [tilespmem:s18+$0xFFFFFFE0]  }
0x97: {  	s8 =	sand.u32 $0x780, s8;
	s19 =	simm.s32 $0xB;
	v13 =	vmov s17;
	s20 =	simm.s32 $0xC;
	[tilespmem:v23+s25+$0x0] =	vst.idx.msk $0xffff, v11;
	v11 =	vld.idx.msk [tilespmem:v22+s24+$0x0], $0xffff;
	v5 =	vor.u32 s15, v3;
	v8 =	vmovc v21;
	v22 =	vadd.s32 v1, v25  }
.LBB2_9:
0x98: {  	p0 =	slt.u32 s20, $0x3FC;
	s14 =	sadd.s32 $0x2, s1;
	v14 =	vadd.s32 v1, v14;
	v17 =	vperm.xlane v17, v22;
	v22 =	vld.idx.msk [tilespmem:v9+s24+$0x0], $0xffff;
	v9 =	vmov s19;
	[tilespmem:v10+s25+$0x0] =	vst.idx.msk $0xffff, v15  }
0x99: {  	v15 =	vld.idx.msk [tilespmem:v21+s23+$0x0], $0xffff;
	v10 =	vmov s14;
	v18 =	vperm.xlane v18, v14;
	v14 =	vadd.s32 v1, v16  }
0x9a: {  	v12 =	vadd.s32 v1, v12;
	v23 =	vld.idx.msk [tilespmem:v6+s24+$0x0], $0xffff;
	v16 =	vperm.xlane v19, v14;
	v14 =	vshll.u32 v17, v2  }
0x9b: {  	v19 =	vor.u32 s31, v3;
	v6 =	vmovc v13;
	s31 =	smov.u32 s19;
	v12 =	vperm.xlane v20, v12;
	v20 =	vld.idx.msk [tilespmem:v7+s24+$0x0], $0xffff;
	v17 =	vshra.s32 v14, $0x18;
	v7 =	vmovc v10  }
0x9c: {  	v14 =	vld.idx.msk [tilespmem:v13+s23+$0x0], $0xffff;
	v13 =	vshll.u32 v18, v2;
	v16 =	vshll.u32 v16, v2;
	v17 =	vcvt.s32.f32 v17  }
0x9d: {  	v24 =	vld.idx.msk [tilespmem:v9+s23+$0x0], $0xffff;
	v21 =	vshll.u32 v12, v2;
	v13 =	vshra.s32 v13, $0x18;
	v18 =	vshra.s32 v16, $0x18  }
0x9e: {  	s18 =	sadd.s32 $0x40, s18;
	v16 =	vld.idx.msk [tilespmem:v10+s23+$0x0], $0xffff;
	v10 =	vshra.s32 v21, $0x18;
	v13 =	vcvt.s32.f32 v13;
	v22 =	vmul.f32 v17, v22  }
.Ltmp3:
0x9f: {  	v26 =	vcvt.s32.f32 v18;
	v17 =	vld [tilespmem:s18+$0x10];
	v25 =	vcvt.s32.f32 v10;
	v10 =	vor.u32 s10, v3;
	v12 =	vmovc v15;
	s10 =	smov.u32 s1;
	s1 =	smov.u32 s20;
	(pc) =	sbr.rel @p0 .LBB2_9-.Ltmp3, $4  }
0xa0: {  	v21 =	vmov s20;
	v18 =	vld [tilespmem:s18+$0xFFFFFFF0];
	v13 =	vmul.f32 v13, v23;
	[tilespmem:v19+s25+$0x0] =	vst.idx.msk $0xffff, v22  }
0xa1: {  	v23 =	vmul.f32 v26, v20;
	v19 =	vld [tilespmem:s18+$0x0];
	v15 =	vmul.f32 v25, v11  }
0xa2: {  	v20 =	vld [tilespmem:s18+$0xFFFFFFE0];
	[tilespmem:v4+s25+$0x0] =	vst.idx.msk $0xffff, v13;
	v4 =	vor.u32 s17, v3;
	s17 =	sadd.s32 $0x1, s20  }
0xa3: {  	s19 =	sadd.s32 $0x3, s1;
	s20 =	sadd.s32 $0x4, s20;
	v22 =	vadd.s32 v1, v24;
	v13 =	vmov s17;
	v11 =	vld.idx.msk [tilespmem:v8+s24+$0x0], $0xffff;
	[tilespmem:v5+s25+$0x0] =	vst.idx.msk $0xffff, v23;
	v5 =	vor.u32 s14, v3;
	v8 =	vmovc v21  }
0xa4: {  	_ =	sdelay $0x3  }
0xa5: {  	v9 =	vld.idx.msk [tilespmem:v9+s24+$0x0], $0xffff  }
0xa6: {  	v21 =	vld.idx.msk [tilespmem:v21+s23+$0x0], $0xffff  }
0xa7: {  	s14 =	sadd.s32 $0x2, s1;
	v23 =	vmov s19;
	v14 =	vadd.s32 v1, v14;
	v17 =	vperm.xlane v17, v22;
	v6 =	vld.idx.msk [tilespmem:v6+s24+$0x0], $0xffff  }
0xa8: {  	v16 =	vadd.s32 v1, v16;
	v12 =	vadd.s32 v1, v12;
	v7 =	vld.idx.msk [tilespmem:v7+s24+$0x0], $0xffff;
	v24 =	vmov s14  }
0xa9: {  	v45 =	vld.idx.msk [tilespmem:v13+s23+$0x0], $0xffff;
	s15 =	sadd.s32 $0x40, s18;
	v51 =	vor.u32 s31, v3;
	v53 =	vor.u32 s10, v3;
	v54 =	vor.u32 s17, v3  }
0xaa: {  	v59 =	vor.u32 s19, v3;
	v14 =	vperm.xlane v18, v14;
	v48 =	vld [tilespmem:s15+$0x10];
	v16 =	vperm.xlane v19, v16  }
0xab: {  	v25 =	vld [tilespmem:s15+$0xFFFFFFF0];
	v55 =	vor.u32 s14, v3;
	v17 =	vshll.u32 v17, v2;
	v12 =	vperm.xlane v20, v12  }
0xac: {  	v17 =	vshra.s32 v17, $0x18;
	v14 =	vshll.u32 v14, v2;
	v16 =	vshll.u32 v16, v2;
	v46 =	vld.idx.msk [tilespmem:v23+s23+$0x0], $0xffff  }
0xad: {  	v17 =	vcvt.s32.f32 v17;
	v14 =	vshra.s32 v14, $0x18;
	v12 =	vshll.u32 v12, v2;
	v47 =	vld.idx.msk [tilespmem:v24+s23+$0x0], $0xffff  }
0xae: {  	v49 =	vld [tilespmem:s15+$0x0];
	v16 =	vshra.s32 v16, $0x18;
	v14 =	vcvt.s32.f32 v14;
	v18 =	vadd.s32 v1, v45  }
0xaf: {  	v50 =	vld [tilespmem:s15+$0xFFFFFFE0];
	v12 =	vshra.s32 v12, $0x18;
	v9 =	vmul.f32 v17, v9;
	v16 =	vcvt.s32.f32 v16  }
0xb0: {  	[tilespmem:v10+s25+$0x0] =	vst.idx.msk $0xffff, v15;
	v21 =	vadd.s32 v1, v21;
	v18 =	vperm.xlane v25, v18;
	v12 =	vcvt.s32.f32 v12  }
0xb1: {  	v6 =	vmul.f32 v14, v6;
	v7 =	vmul.f32 v16, v7;
	v52 =	vadd.s32 v1, v46  }
0xb2: {  	v56 =	vld.idx.msk [tilespmem:v13+s24+$0x0], $0xffff;
	v18 =	vshll.u32 v18, v2;
	v16 =	vperm.xlane v48, v52;
	v20 =	vadd.s32 v1, v47  }
0xb3: {  	v23 =	vld.idx.msk [tilespmem:v23+s24+$0x0], $0xffff;
	v11 =	vmul.f32 v12, v11;
	v61 =	vshra.s32 v18, $0x18;
	v17 =	vperm.xlane v49, v20  }
0xb4: {  	v58 =	vld.idx.msk [tilespmem:v24+s24+$0x0], $0xffff;
	v12 =	vperm.xlane v50, v21;
	v62 =	vcvt.s32.f32 v61;
	v16 =	vshll.u32 v16, v2  }
0xb5: {  	v8 =	vld.idx.msk [tilespmem:v8+s24+$0x0], $0xffff;
	[tilespmem:v5+s25+$0x0] =	vst.idx.msk $0xffff, v7;
	v7 =	vor.u32 s1, v3;
	v57 =	vshra.s32 v16, $0x18;
	v17 =	vshll.u32 v17, v2  }
0xb6: {  	[tilespmem:v4+s25+$0x0] =	vst.idx.msk $0xffff, v6;
	v12 =	vshll.u32 v12, v2;
	v60 =	vcvt.s32.f32 v57;
	v4 =	vshra.s32 v17, $0x18  }
0xb7: {  	[tilespmem:v51+s25+$0x0] =	vst.idx.msk $0xffff, v9;
	v6 =	vshra.s32 v12, $0x18;
	v63 =	vmul.f32 v62, v56;
	v4 =	vcvt.s32.f32 v4  }
0xb8: {  	[tilespmem:v53+s25+$0x0] =	vst.idx.msk $0xffff, v11;
	v6 =	vcvt.s32.f32 v6;
	v5 =	vmul.f32 v60, v23  }
0xb9: {  	s17 =	sshll.u32 s9, $0x7;
	[tilespmem:v54+s25+$0x0] =	vst.idx.msk $0xffff, v63;
	v4 =	vmul.f32 v4, v58  }
0xba: {  	s18 =	sshll.u32 s9, $0xB;
	s19 =	sand.u32 $0x780, s17;
	[tilespmem:v59+s25+$0x0] =	vst.idx.msk $0xffff, v5;
	v5 =	vmul.f32 v6, v8  }
0xbb: {  	s9 =	sand.u32 $0xFFF8000, s18;
	s10 =	sadd.s32 s7, s19;
	[tilespmem:v55+s25+$0x0] =	vst.idx.msk $0xffff, v4  }
0xbc: {  	s9 =	sadd.s32 s9, s10;
	[tilespmem:v7+s25+$0x0] =	vst.idx.msk $0xffff, v5  }
0xbd: {  	[hbm4b:s9+s13] =	stream.strided.scatter [tilespmem:s25], [sflag:$0x3], $0x4000, s26, s13, $0x38;
	[tilespmem:$0x16400] =	vst v63  }
0xbe: {  	s1 =	sadd.s32 s11, s17  }
0xbf: {  	[tilespmem:s4], [sflag:$0x4] =	stream.linear.gather [hbm4b:s1+s4], $0x400, $0x38;
	[tilespmem:$0x16400] =	vst v63  }
0xc0: {  	_ =	swait.ge [sflag:s12], $0x400  }
0xc1: {  	[sflag:s12] =	ssyncset.done $0x0  }
0xc2: {  	s20 =	simm.s32 $0x10;
	[sflag:s12] =	ssyncadd.s32 $0xFFFFFC00  }
0xc3: {  	v4 =	vld [tilespmem:s20+$0x0]  }
0xc4: {  	v5 =	vld [tilespmem:s20+$0xFFFFFFF0];
	_ =	sdelay $0x3  }
0xc5: {  	s1 =	simm.s32 $0x410;
	v6 =	vshra.s32 v4, $0x2  }
0xc6: {  	v7 =	vshra.s32 v5, $0x2;
	[tilespmem:s1+$0x0] =	vst v6  }
0xc7: {  	s31 =	simm.s32 $0x810;
	s10 =	simm.s32 $0x30;
	[tilespmem:s1+$0xFFFFFFF0] =	vst v7;
	v6 =	vshra.s32 v5, $0x4  }
0xc8: {  	v7 =	vshll.u32 v4, $0x2;
	[tilespmem:s31+$0xFFFFFFF0] =	vst v6;
	v6 =	vshra.s32 v4, $0x4;
	v4 =	vld [tilespmem:s10+$0x0]  }
0xc9: {  	v8 =	vshll.u32 v5, $0x2;
	v5 =	vld [tilespmem:s10+$0xFFFFFFF0]  }
0xca: {  	s18 =	simm.s32 $0x8C10;
	v7 =	vand.u32 $0xC, v7;
	[tilespmem:s31+$0x0] =	vst v6  }
0xcb: {  	s14 =	simm.s32 $0x830;
	s17 =	simm.s32 $0x2;
	s9 =	simm.s32 $0x8C30;
	v6 =	vand.u32 $0xC, v8;
	[tilespmem:s18+$0x0] =	vst v7  }
.LBB2_11:
0xcc: {  	s17 =	sadd.s32 $0x2, s17  }
0xcd: {  	v7 =	vshra.s32 v4, $0x2;
	s10 =	sadd.s32 $0x20, s10;
	[tilespmem:s18+$0xFFFFFFF0] =	vst v6;
	s1 =	sadd.s32 $0x20, s1;
	v6 =	vmov v4;
	p0 =	slt.u32 s17, $0x3E  }
.Ltmp4:
0xce: {  	s18 =	smov.u32 s9;
	v4 =	vld [tilespmem:s10+$0x0];
	v8 =	vshra.s32 v5, $0x2;
	v9 =	vshll.u32 v5, $0x2;
	[tilespmem:s1+$0x0] =	vst v7;
	(pc) =	sbr.rel @p0 .LBB2_11-.Ltmp4, $4  }
0xcf: {  	v7 =	vshra.s32 v5, $0x4;
	[tilespmem:s1+$0xFFFFFFF0] =	vst v8;
	v5 =	vld [tilespmem:s10+$0xFFFFFFF0]  }
0xd0: {  	[tilespmem:s14+$0xFFFFFFF0] =	vst v7;
	v7 =	vshra.s32 v6, $0x4;
	v6 =	vshll.u32 v6, $0x2  }
0xd1: {  	[tilespmem:s14+$0x0] =	vst v7;
	v7 =	vand.u32 $0xC, v6  }
0xd2: {  	s9 =	sadd.s32 $0x20, s9;
	v6 =	vand.u32 $0xC, v9;
	s14 =	sadd.s32 $0x20, s14;
	[tilespmem:s18+$0x0] =	vst v7  }
0xd3: {  	v7 =	vshra.s32 v4, $0x2;
	[tilespmem:s18+$0xFFFFFFF0] =	vst v6;
	s1 =	sadd.s32 $0x20, s1  }
0xd4: {  	v6 =	vshra.s32 v5, $0x2;
	[tilespmem:s1+$0x0] =	vst v7  }
0xd5: {  	[tilespmem:s1+$0xFFFFFFF0] =	vst v6;
	v6 =	vshra.s32 v5, $0x4  }
0xd6: {  	v5 =	vshll.u32 v5, $0x2;
	[tilespmem:s14+$0xFFFFFFF0] =	vst v6;
	v6 =	vshra.s32 v4, $0x4  }
0xd7: {  	v4 =	vshll.u32 v4, $0x2;
	v5 =	vand.u32 $0xC, v5;
	[tilespmem:s14+$0x0] =	vst v6  }
0xd8: {  	v4 =	vand.u32 $0xC, v4;
	[tilespmem:s9+$0xFFFFFFF0] =	vst v5  }
0xd9: {  	[tilespmem:s9+$0x0] =	vst v4;
	s9 =	simm.s32 $0xC00  }
0xda: {  	[tilespmem:s9], [sflag:$0x1] =	stream.indirect.gather [hbm4b:s3+s13], $0x10, s13, s13, $0xb8;
	[tilespmem:$0x16400] =	vst v63  }
0xdb: {  	s10 =	simm.s32 $0x800  }
0xdc: {  	[tilespmem:s16], [sflag:$0x1] =	stream.indirect.gather [hbm4b:s6+s13], $0x10, s10, s13, $0xb8;
	[tilespmem:$0x16400] =	vst v63  }
0xdd: {  	_ =	swait.ge [sflag:s28], $0x4000  }
0xde: {  	[sflag:s28] =	ssyncset.done $0x0  }
0xdf: {  	[sflag:s28] =	ssyncadd.s32 $0xFFFFC000  }
0xe0: {  	_ =	swait.ge [sflag:s28], $0x4000  }
0xe1: {  	[sflag:s28] =	ssyncset.done $0x0  }
0xe2: {  	s14 =	simm.s32 $0x9010;
	[sflag:s28] =	ssyncadd.s32 $0xFFFFC000  }
0xe3: {  	v4 =	vld [tilespmem:s14+$0xFFFFFFF0];
	_ =	sdelay $0x1  }
0xe4: {  	s15 =	simm.s32 $0x0;
	v5 =	vld [tilespmem:s14+$0x0]  }
0xe5: {  	v6 =	vmov s15  }
0xe6: {  	s17 =	simm.s32 $0x10;
	v6 =	vshll.u32 v6, $0x4  }
0xe7: {  	s18 =	simm.s32 $0x9030;
	v7 =	vmov s17;
	v6 =	vor.u32 v0, v6;
	v4 =	vand.u32 $0xF, v4  }
0xe8: {  	v7 =	vshll.u32 v7, $0x4;
	v8 =	vld [tilespmem:s18+$0xFFFFFFF0];
	v4 =	vor.u32 v6, v4  }
0xe9: {  	v5 =	vand.u32 $0xF, v5;
	v6 =	vor.u32 v0, v7;
	v7 =	vld [tilespmem:s18+$0x0]  }
0xea: {  	s19 =	simm.s32 $0x20;
	v5 =	vor.u32 v6, v5  }
0xeb: {  	s20 =	simm.s32 $0x30;
	s15 =	simm.s32 $0x9050;
	v6 =	vmov s19  }
0xec: {  	v10 =	vmov s20;
	v9 =	vshll.u32 v6, $0x4;
	v6 =	vld [tilespmem:s15+$0xFFFFFFF0]  }
0xed: {  	v10 =	vshll.u32 v10, $0x4;
	v8 =	vand.u32 $0xF, v8;
	v9 =	vor.u32 v0, v9;
	v4 =	vld.idx.msk [tilespmem:v4+s21+$0x0], $0xffff  }
0xee: {  	s31 =	simm.s32 $0x40;
	v10 =	vor.u32 v0, v10;
	v11 =	vand.u32 $0xF, v7;
	v7 =	vor.u32 v9, v8;
	v9 =	vld [tilespmem:s15+$0x0]  }
0xef: {  	v12 =	vmov s31;
	s17 =	simm.s32 $0x9070;
	s1 =	simm.s32 $0x12010;
	v5 =	vld.idx.msk [tilespmem:v5+s21+$0x0], $0xffff;
	v8 =	vor.u32 v10, v11  }
0xf0: {  	s9 =	simm.s32 $0x12010;
	s10 =	simm.s32 $0x4;
	s14 =	simm.s32 $0x50;
	v10 =	vshll.u32 v12, $0x4  }
.LBB2_13:
0xf1: {  	s10 =	sadd.s32 $0x2, s10  }
0xf2: {  	v10 =	vor.u32 v0, v10;
	v11 =	vand.u32 $0xF, v6;
	v6 =	vld [tilespmem:s17+$0xFFFFFFF0];
	v12 =	vmov s14;
	s1 =	sadd.s32 $0x20, s1;
	p0 =	slt.u32 s10, $0x3E  }
.Ltmp5:
0xf3: {  	v12 =	vshll.u32 v12, $0x4;
	[tilespmem:s9+$0xFFFFFFF0] =	vst v4;
	v4 =	vld.idx.msk [tilespmem:v7+s21+$0x0], $0xffff;
	v7 =	vor.u32 v10, v11;
	(pc) =	sbr.rel @p0 .LBB2_13-.Ltmp5, $4  }
0xf4: {  	s14 =	sadd.s32 $0x20, s14;
	v10 =	vor.u32 v0, v12;
	v11 =	vand.u32 $0xF, v9;
	[tilespmem:s9+$0x0] =	vst v5;
	v5 =	vld.idx.msk [tilespmem:v8+s21+$0x0], $0xffff;
	s9 =	smov.u32 s1  }
0xf5: {  	s15 =	sadd.s32 $0xFFFFFFF0, s14;
	v9 =	vld [tilespmem:s17+$0x0];
	v8 =	vor.u32 v10, v11  }
0xf6: {  	v10 =	vmov s15  }
0xf7: {  	s17 =	sadd.s32 $0x20, s17;
	v10 =	vshll.u32 v10, $0x4  }
0xf8: {  	v11 =	vmov s14  }
0xf9: {  	v10 =	vor.u32 v0, v10;
	v6 =	vand.u32 $0xF, v6;
	v11 =	vshll.u32 v11, $0x4  }
0xfa: {  	v6 =	vor.u32 v10, v6;
	v10 =	vor.u32 v0, v11;
	v9 =	vand.u32 $0xF, v9  }
0xfb: {  	v9 =	vor.u32 v10, v9;
	_ =	sdelay $0x1  }
0xfc: {  	v7 =	vld.idx.msk [tilespmem:v7+s21+$0x0], $0xffff  }
0xfd: {  	v8 =	vld.idx.msk [tilespmem:v8+s21+$0x0], $0xffff  }
0xfe: {  	v6 =	vld.idx.msk [tilespmem:v6+s21+$0x0], $0xffff  }
0xff: {  	[tilespmem:s9+$0xFFFFFFF0] =	vst v4;
	v4 =	vld.idx.msk [tilespmem:v9+s21+$0x0], $0xffff  }
0x100: {  	s1 =	sadd.s32 $0x20, s1;
	[tilespmem:s9+$0x0] =	vst v5  }
0x101: {  	[tilespmem:s1+$0xFFFFFFF0] =	vst v7  }
0x102: {  	s15 =	simm.s32 $0x3;
	s19 =	sadd.s32 $0x20, s1;
	[tilespmem:s1+$0x0] =	vst v8  }
0x103: {  	s17 =	simm.s32 $0x2;
	v7 =	vmov s15;
	[tilespmem:s19+$0xFFFFFFF0] =	vst v6  }
0x104: {  	v10 =	vmov s17;
	[tilespmem:s19+$0x0] =	vst v4  }
0x105: {  	_ =	swait.ge [sflag:s29], $0x4000  }
0x106: {  	s31 =	simm.s32 $0x1;
	[sflag:s29] =	ssyncset.done $0x0  }
0x107: {  	v4 =	vmov s31;
	[sflag:s29] =	ssyncadd.s32 $0xFFFFC000  }
0x108: {  	s20 =	simm.s32 $0x0;
	v9 =	vld.idx.msk [tilespmem:v7+s30+$0x0], $0xffff  }
0x109: {  	s10 =	simm.s32 $0x9C20;
	v5 =	vmov s20;
	v13 =	vld.idx.msk [tilespmem:v10+s30+$0x0], $0xffff  }
0x10a: {  	v12 =	vld [tilespmem:s10+$0x10]  }
0x10b: {  	v14 =	vld [tilespmem:s10+$0xFFFFFFF0]  }
0x10c: {  	v8 =	vld.idx.msk [tilespmem:v4+s30+$0x0], $0xffff  }
0x10d: {  	v15 =	vld [tilespmem:s10+$0x0]  }
0x10e: {  	s9 =	simm.s32 $0x4;
	v11 =	vld.idx.msk [tilespmem:v5+s30+$0x0], $0xffff  }
0x10f: {  	v22 =	vmov s9;
	s19 =	simm.s32 $0x5;
	v16 =	vld [tilespmem:s10+$0xFFFFFFE0];
	v17 =	vadd.s32 v1, v9  }
0x110: {  	v23 =	vor.u32 s31, v3;
	v6 =	vmov s19;
	s10 =	simm.s32 $0x7;
	v5 =	vld.idx.msk [tilespmem:v5+s24+$0x0], $0xffff;
	v17 =	vperm.xlane v12, v17  }
0x111: {  	v7 =	vld.idx.msk [tilespmem:v7+s24+$0x0], $0xffff;
	v9 =	vmov s10;
	v13 =	vadd.s32 v1, v13;
	v18 =	vadd.s32 v1, v8  }
0x112: {  	v4 =	vld.idx.msk [tilespmem:v4+s24+$0x0], $0xffff;
	v13 =	vperm.xlane v15, v13;
	v18 =	vperm.xlane v14, v18;
	v14 =	vshll.u32 v17, v2  }
0x113: {  	v19 =	vor.u32 s15, v3;
	s31 =	simm.s32 $0x6;
	v11 =	vadd.s32 v1, v11;
	v15 =	vld.idx.msk [tilespmem:v10+s24+$0x0], $0xffff;
	v10 =	vshra.s32 v14, $0x18  }
0x114: {  	v12 =	vld.idx.msk [tilespmem:v22+s30+$0x0], $0xffff;
	v8 =	vmov s31;
	v13 =	vshll.u32 v13, v2;
	v10 =	vcvt.s32.f32 v10  }
0x115: {  	s18 =	simm.s32 $0x9C60;
	v11 =	vperm.xlane v16, v11;
	v14 =	vld.idx.msk [tilespmem:v6+s30+$0x0], $0xffff;
	v16 =	vshll.u32 v18, v2;
	v13 =	vshra.s32 v13, $0x18  }
0x116: {  	v18 =	vld [tilespmem:s18+$0xFFFFFFF0];
	v17 =	vshra.s32 v16, $0x18;
	v13 =	vcvt.s32.f32 v13;
	v7 =	vmul.f32 v10, v7  }
0x117: {  	v24 =	vor.u32 s17, v3;
	v11 =	vshll.u32 v11, v2;
	v25 =	vld.idx.msk [tilespmem:v9+s30+$0x0], $0xffff;
	v20 =	vcvt.s32.f32 v17  }
0x118: {  	s1 =	simm.s32 $0x8;
	v11 =	vshra.s32 v11, $0x18;
	v17 =	vld [tilespmem:s18+$0x10];
	v10 =	vor.u32 s20, v3;
	[tilespmem:v19+s25+$0x0] =	vst.idx.msk $0xffff, v7;
	v7 =	vmul.f32 v13, v15  }
0x119: {  	v21 =	vmov s1;
	v11 =	vcvt.s32.f32 v11;
	v16 =	vld.idx.msk [tilespmem:v8+s30+$0x0], $0xffff;
	v26 =	vmul.f32 v20, v4  }
0x11a: {  	v19 =	vld [tilespmem:s18+$0x0]  }
0x11b: {  	s17 =	simm.s32 $0x9;
	v20 =	vld [tilespmem:s18+$0xFFFFFFE0];
	v4 =	vor.u32 s19, v3;
	v15 =	vmul.f32 v11, v5;
	[tilespmem:v23+s25+$0x0] =	vst.idx.msk $0xffff, v26  }
0x11c: {  	s20 =	simm.s32 $0xC;
	s19 =	simm.s32 $0xB;
	v13 =	vmov s17;
	v11 =	vld.idx.msk [tilespmem:v22+s24+$0x0], $0xffff;
	v5 =	vor.u32 s31, v3;
	v22 =	vadd.s32 v1, v25;
	[tilespmem:v24+s25+$0x0] =	vst.idx.msk $0xffff, v7;
	v7 =	vmovc v21  }
.LBB2_15:
0x11d: {  	p0 =	slt.u32 s20, $0x3FC;
	s14 =	sadd.s32 $0x2, s1;
	v14 =	vadd.s32 v1, v14;
	v17 =	vperm.xlane v17, v22;
	v22 =	vld.idx.msk [tilespmem:v9+s24+$0x0], $0xffff;
	v9 =	vmov s19;
	[tilespmem:v10+s25+$0x0] =	vst.idx.msk $0xffff, v15  }
0x11e: {  	v15 =	vld.idx.msk [tilespmem:v21+s30+$0x0], $0xffff;
	v10 =	vmov s14;
	v18 =	vperm.xlane v18, v14;
	v14 =	vadd.s32 v1, v16  }
0x11f: {  	v12 =	vadd.s32 v1, v12;
	v23 =	vld.idx.msk [tilespmem:v6+s24+$0x0], $0xffff;
	v16 =	vperm.xlane v19, v14;
	v14 =	vshll.u32 v17, v2  }
0x120: {  	v19 =	vor.u32 s10, v3;
	v6 =	vmovc v13;
	s10 =	smov.u32 s19;
	v12 =	vperm.xlane v20, v12;
	v20 =	vld.idx.msk [tilespmem:v8+s24+$0x0], $0xffff;
	v17 =	vshra.s32 v14, $0x18;
	v8 =	vmovc v10  }
0x121: {  	v14 =	vld.idx.msk [tilespmem:v13+s30+$0x0], $0xffff;
	v13 =	vshll.u32 v18, v2;
	v16 =	vshll.u32 v16, v2;
	v17 =	vcvt.s32.f32 v17  }
0x122: {  	v24 =	vld.idx.msk [tilespmem:v9+s30+$0x0], $0xffff;
	v21 =	vshll.u32 v12, v2;
	v13 =	vshra.s32 v13, $0x18;
	v18 =	vshra.s32 v16, $0x18  }
0x123: {  	s18 =	sadd.s32 $0x40, s18;
	v16 =	vld.idx.msk [tilespmem:v10+s30+$0x0], $0xffff;
	v10 =	vshra.s32 v21, $0x18;
	v13 =	vcvt.s32.f32 v13;
	v22 =	vmul.f32 v17, v22  }
.Ltmp6:
0x124: {  	v26 =	vcvt.s32.f32 v18;
	v17 =	vld [tilespmem:s18+$0x10];
	v25 =	vcvt.s32.f32 v10;
	v10 =	vor.u32 s9, v3;
	v12 =	vmovc v15;
	s9 =	smov.u32 s1;
	s1 =	smov.u32 s20;
	(pc) =	sbr.rel @p0 .LBB2_15-.Ltmp6, $4  }
0x125: {  	v21 =	vmov s20;
	v18 =	vld [tilespmem:s18+$0xFFFFFFF0];
	v13 =	vmul.f32 v13, v23;
	[tilespmem:v19+s25+$0x0] =	vst.idx.msk $0xffff, v22  }
0x126: {  	v23 =	vmul.f32 v26, v20;
	v19 =	vld [tilespmem:s18+$0x0];
	v15 =	vmul.f32 v25, v11  }
0x127: {  	v20 =	vld [tilespmem:s18+$0xFFFFFFE0];
	[tilespmem:v4+s25+$0x0] =	vst.idx.msk $0xffff, v13;
	v4 =	vor.u32 s17, v3;
	s17 =	sadd.s32 $0x1, s20  }
0x128: {  	s19 =	sadd.s32 $0x3, s1;
	s20 =	sadd.s32 $0x4, s20;
	v22 =	vadd.s32 v1, v24;
	v13 =	vmov s17;
	v11 =	vld.idx.msk [tilespmem:v7+s24+$0x0], $0xffff;
	[tilespmem:v5+s25+$0x0] =	vst.idx.msk $0xffff, v23;
	v5 =	vor.u32 s14, v3;
	v7 =	vmovc v21  }
0x129: {  	_ =	sdelay $0x3  }
0x12a: {  	v9 =	vld.idx.msk [tilespmem:v9+s24+$0x0], $0xffff  }
0x12b: {  	v21 =	vld.idx.msk [tilespmem:v21+s30+$0x0], $0xffff  }
0x12c: {  	s14 =	sadd.s32 $0x2, s1;
	v23 =	vmov s19;
	v14 =	vadd.s32 v1, v14;
	v17 =	vperm.xlane v17, v22;
	v6 =	vld.idx.msk [tilespmem:v6+s24+$0x0], $0xffff  }
0x12d: {  	v16 =	vadd.s32 v1, v16;
	v12 =	vadd.s32 v1, v12;
	v8 =	vld.idx.msk [tilespmem:v8+s24+$0x0], $0xffff;
	v24 =	vmov s14  }
0x12e: {  	v43 =	vld.idx.msk [tilespmem:v13+s30+$0x0], $0xffff;
	s15 =	sadd.s32 $0x40, s18;
	v49 =	vor.u32 s10, v3;
	v51 =	vor.u32 s9, v3;
	v52 =	vor.u32 s17, v3  }
0x12f: {  	v57 =	vor.u32 s19, v3;
	v62 =	vor.u32 s1, v3;
	v14 =	vperm.xlane v18, v14;
	v46 =	vld [tilespmem:s15+$0x10]  }
0x130: {  	v25 =	vld [tilespmem:s15+$0xFFFFFFF0];
	v53 =	vor.u32 s14, v3;
	v16 =	vperm.xlane v19, v16;
	v17 =	vshll.u32 v17, v2  }
0x131: {  	v12 =	vperm.xlane v20, v12;
	v17 =	vshra.s32 v17, $0x18;
	v14 =	vshll.u32 v14, v2;
	v44 =	vld.idx.msk [tilespmem:v23+s30+$0x0], $0xffff  }
0x132: {  	v16 =	vshll.u32 v16, v2;
	v17 =	vcvt.s32.f32 v17;
	v14 =	vshra.s32 v14, $0x18;
	v45 =	vld.idx.msk [tilespmem:v24+s30+$0x0], $0xffff  }
0x133: {  	v47 =	vld [tilespmem:s15+$0x0];
	v12 =	vshll.u32 v12, v2;
	v16 =	vshra.s32 v16, $0x18;
	v14 =	vcvt.s32.f32 v14  }
0x134: {  	v48 =	vld [tilespmem:s15+$0xFFFFFFE0];
	v18 =	vadd.s32 v1, v43;
	v21 =	vadd.s32 v1, v21;
	v9 =	vmul.f32 v17, v9  }
0x135: {  	v12 =	vshra.s32 v12, $0x18;
	v16 =	vcvt.s32.f32 v16;
	v18 =	vperm.xlane v25, v18  }
0x136: {  	[tilespmem:v10+s25+$0x0] =	vst.idx.msk $0xffff, v15;
	v12 =	vcvt.s32.f32 v12;
	v6 =	vmul.f32 v14, v6;
	v50 =	vadd.s32 v1, v44  }
0x137: {  	v54 =	vld.idx.msk [tilespmem:v13+s24+$0x0], $0xffff;
	v8 =	vmul.f32 v16, v8;
	v16 =	vperm.xlane v46, v50;
	v20 =	vadd.s32 v1, v45  }
0x138: {  	v23 =	vld.idx.msk [tilespmem:v23+s24+$0x0], $0xffff;
	v18 =	vshll.u32 v18, v2;
	v11 =	vmul.f32 v12, v11;
	v17 =	vperm.xlane v47, v20  }
0x139: {  	v56 =	vld.idx.msk [tilespmem:v24+s24+$0x0], $0xffff;
	v12 =	vperm.xlane v48, v21;
	v59 =	vshra.s32 v18, $0x18;
	v16 =	vshll.u32 v16, v2  }
0x13a: {  	v7 =	vld.idx.msk [tilespmem:v7+s24+$0x0], $0xffff;
	[tilespmem:v49+s25+$0x0] =	vst.idx.msk $0xffff, v9;
	v61 =	vcvt.s32.f32 v59;
	v55 =	vshra.s32 v16, $0x18;
	v17 =	vshll.u32 v17, v2  }
0x13b: {  	[tilespmem:v4+s25+$0x0] =	vst.idx.msk $0xffff, v6;
	v12 =	vshll.u32 v12, v2;
	v58 =	vcvt.s32.f32 v55;
	v4 =	vshra.s32 v17, $0x18  }
0x13c: {  	s2 =	sadd.s32 $0x1, s2;
	[tilespmem:v5+s25+$0x0] =	vst.idx.msk $0xffff, v8;
	v60 =	vshra.s32 v12, $0x18;
	v63 =	vmul.f32 v61, v54;
	v4 =	vcvt.s32.f32 v4  }
0x13d: {  	p0 =	sne.s32 s2, $0xC;
	[tilespmem:v51+s25+$0x0] =	vst.idx.msk $0xffff, v11;
	v6 =	vcvt.s32.f32 v60;
	v5 =	vmul.f32 v58, v23  }
.Ltmp7:
0x13e: {  	[tilespmem:v52+s25+$0x0] =	vst.idx.msk $0xffff, v63;
	v4 =	vmul.f32 v4, v56;
	(pc) =	sbr.rel @p0 .LBB2_4-.Ltmp7, $4  }
0x13f: {  	s0 =	sshll.u32 s0, $0xB;
	[tilespmem:v57+s25+$0x0] =	vst.idx.msk $0xffff, v5;
	v5 =	vmul.f32 v6, v7  }
0x140: {  	s31 =	sadd.s32 s7, s8;
	s0 =	sand.u32 $0xFFF8000, s0;
	[tilespmem:v53+s25+$0x0] =	vst.idx.msk $0xffff, v4  }
0x141: {  	s0 =	sadd.s32 s0, s31;
	[tilespmem:v62+s25+$0x0] =	vst.idx.msk $0xffff, v5  }
0x142: {  	[hbm4b:s0+s13] =	stream.strided.scatter [tilespmem:s25], [sflag:$0x3], $0x4000, s26, s13, $0x38;
	[tilespmem:$0x16400] =	vst v63  }
0x143: {  	_ =	swait.ge [sflag:s22], $0x4000  }
0x144: {  	[sflag:s22] =	ssyncset.done $0x0  }
0x145: {  	[sflag:s22] =	ssyncadd.s32 $0xFFFFC000  }
0x146: {  	_ =	swait.ge [sflag:s22], $0x4000  }
0x147: {  	[sflag:s22] =	ssyncset.done $0x0  }
0x148: {  	s0 =	simm.s32 $0x10;
	[sflag:s22] =	ssyncadd.s32 $0xFFFFC000  }
0x149: {  	v4 =	vld [tilespmem:s0+$0xFFFFFFF0];
	_ =	sdelay $0x1  }
0x14a: {  	s1 =	simm.s32 $0x0;
	v5 =	vld [tilespmem:s0+$0x0]  }
0x14b: {  	v6 =	vmov s1  }
0x14c: {  	v6 =	vshll.u32 v6, $0x4  }
0x14d: {  	s20 =	simm.s32 $0x30;
	v7 =	vmov s0;
	v6 =	vor.u32 v0, v6;
	v4 =	vand.u32 $0xF, v4  }
0x14e: {  	v7 =	vshll.u32 v7, $0x4;
	v8 =	vld [tilespmem:s20+$0xFFFFFFF0];
	v4 =	vor.u32 v6, v4  }
0x14f: {  	v5 =	vand.u32 $0xF, v5;
	v6 =	vor.u32 v0, v7;
	v7 =	vld [tilespmem:s20+$0x0]  }
0x150: {  	s31 =	simm.s32 $0x20;
	v5 =	vor.u32 v6, v5  }
0x151: {  	s1 =	simm.s32 $0x50;
	v6 =	vmov s31  }
0x152: {  	v10 =	vmov s20;
	v9 =	vshll.u32 v6, $0x4;
	v6 =	vld [tilespmem:s1+$0xFFFFFFF0]  }
0x153: {  	v10 =	vshll.u32 v10, $0x4;
	v8 =	vand.u32 $0xF, v8;
	v9 =	vor.u32 v0, v9;
	v4 =	vld.idx.msk [tilespmem:v4+s16+$0x0], $0xffff  }
0x154: {  	s2 =	simm.s32 $0x40;
	v10 =	vor.u32 v0, v10;
	v11 =	vand.u32 $0xF, v7;
	v7 =	vor.u32 v9, v8;
	v9 =	vld [tilespmem:s1+$0x0]  }
0x155: {  	s8 =	simm.s32 $0x4;
	v12 =	vmov s2;
	v5 =	vld.idx.msk [tilespmem:v5+s16+$0x0], $0xffff;
	v8 =	vor.u32 v10, v11  }
0x156: {  	s9 =	simm.s32 $0x70;
	s2 =	simm.s32 $0x12010;
	s0 =	simm.s32 $0x12010;
	v10 =	vshll.u32 v12, $0x4  }
.LBB2_18:
0x157: {  	s8 =	sadd.s32 $0x2, s8  }
0x158: {  	v10 =	vor.u32 v0, v10;
	v11 =	vand.u32 $0xF, v6;
	v6 =	vld [tilespmem:s9+$0xFFFFFFF0];
	v12 =	vmov s1;
	s0 =	sadd.s32 $0x20, s0;
	p0 =	slt.u32 s8, $0x3E  }
.Ltmp8:
0x159: {  	v12 =	vshll.u32 v12, $0x4;
	[tilespmem:s2+$0xFFFFFFF0] =	vst v4;
	v4 =	vld.idx.msk [tilespmem:v7+s16+$0x0], $0xffff;
	v7 =	vor.u32 v10, v11;
	(pc) =	sbr.rel @p0 .LBB2_18-.Ltmp8, $4  }
0x15a: {  	s1 =	sadd.s32 $0x20, s1;
	v10 =	vor.u32 v0, v12;
	v11 =	vand.u32 $0xF, v9;
	[tilespmem:s2+$0x0] =	vst v5;
	v5 =	vld.idx.msk [tilespmem:v8+s16+$0x0], $0xffff;
	s2 =	smov.u32 s0  }
0x15b: {  	s10 =	sadd.s32 $0xFFFFFFF0, s1;
	v9 =	vld [tilespmem:s9+$0x0];
	v8 =	vor.u32 v10, v11  }
0x15c: {  	v10 =	vmov s10  }
0x15d: {  	s9 =	sadd.s32 $0x20, s9;
	v10 =	vshll.u32 v10, $0x4  }
0x15e: {  	v11 =	vmov s1  }
0x15f: {  	v10 =	vor.u32 v0, v10;
	v6 =	vand.u32 $0xF, v6;
	v11 =	vshll.u32 v11, $0x4  }
0x160: {  	v6 =	vor.u32 v10, v6;
	v10 =	vor.u32 v0, v11;
	v9 =	vand.u32 $0xF, v9  }
0x161: {  	v9 =	vor.u32 v10, v9;
	_ =	sdelay $0x1  }
0x162: {  	v7 =	vld.idx.msk [tilespmem:v7+s16+$0x0], $0xffff  }
0x163: {  	v8 =	vld.idx.msk [tilespmem:v8+s16+$0x0], $0xffff  }
0x164: {  	v6 =	vld.idx.msk [tilespmem:v6+s16+$0x0], $0xffff  }
0x165: {  	[tilespmem:s2+$0xFFFFFFF0] =	vst v4;
	v4 =	vld.idx.msk [tilespmem:v9+s16+$0x0], $0xffff  }
0x166: {  	s0 =	sadd.s32 $0x20, s0;
	[tilespmem:s2+$0x0] =	vst v5  }
0x167: {  	[tilespmem:s0+$0xFFFFFFF0] =	vst v7  }
0x168: {  	s31 =	simm.s32 $0x3;
	s19 =	sadd.s32 $0x20, s0;
	[tilespmem:s0+$0x0] =	vst v8  }
0x169: {  	s9 =	simm.s32 $0x2;
	v7 =	vmov s31;
	[tilespmem:s19+$0xFFFFFFF0] =	vst v6  }
0x16a: {  	v10 =	vmov s9;
	[tilespmem:s19+$0x0] =	vst v4  }
0x16b: {  	_ =	swait.ge [sflag:s29], $0x4000  }
0x16c: {  	s20 =	simm.s32 $0x1;
	[sflag:s29] =	ssyncset.done $0x0  }
0x16d: {  	v4 =	vmov s20;
	[sflag:s29] =	ssyncadd.s32 $0xFFFFC000  }
0x16e: {  	s8 =	simm.s32 $0x0;
	v9 =	vld.idx.msk [tilespmem:v7+s23+$0x0], $0xffff  }
0x16f: {  	s10 =	simm.s32 $0xC20;
	v5 =	vmov s8;
	v13 =	vld.idx.msk [tilespmem:v10+s23+$0x0], $0xffff  }
0x170: {  	v12 =	vld [tilespmem:s10+$0x10]  }
0x171: {  	v14 =	vld [tilespmem:s10+$0xFFFFFFF0]  }
0x172: {  	v8 =	vld.idx.msk [tilespmem:v4+s23+$0x0], $0xffff  }
0x173: {  	v15 =	vld [tilespmem:s10+$0x0]  }
0x174: {  	s0 =	simm.s32 $0x4;
	v11 =	vld.idx.msk [tilespmem:v5+s23+$0x0], $0xffff  }
0x175: {  	s14 =	simm.s32 $0x5;
	v23 =	vor.u32 s20, v3;
	v22 =	vmov s0;
	v16 =	vld [tilespmem:s10+$0xFFFFFFE0];
	v17 =	vadd.s32 v1, v9  }
0x176: {  	s2 =	simm.s32 $0x7;
	v24 =	vor.u32 s9, v3;
	v6 =	vmov s14;
	v5 =	vld.idx.msk [tilespmem:v5+s24+$0x0], $0xffff;
	v17 =	vperm.xlane v12, v17  }
0x177: {  	v7 =	vld.idx.msk [tilespmem:v7+s24+$0x0], $0xffff;
	v9 =	vmov s2;
	v13 =	vadd.s32 v1, v13;
	v18 =	vadd.s32 v1, v8  }
0x178: {  	v4 =	vld.idx.msk [tilespmem:v4+s24+$0x0], $0xffff;
	v13 =	vperm.xlane v15, v13;
	v18 =	vperm.xlane v14, v18;
	v14 =	vshll.u32 v17, v2  }
0x179: {  	s15 =	simm.s32 $0x6;
	v19 =	vor.u32 s31, v3;
	v11 =	vadd.s32 v1, v11;
	v15 =	vld.idx.msk [tilespmem:v10+s24+$0x0], $0xffff;
	v10 =	vshra.s32 v14, $0x18  }
0x17a: {  	v12 =	vld.idx.msk [tilespmem:v22+s23+$0x0], $0xffff;
	v8 =	vmov s15;
	v13 =	vshll.u32 v13, v2;
	v10 =	vcvt.s32.f32 v10  }
0x17b: {  	s9 =	simm.s32 $0xC60;
	v11 =	vperm.xlane v16, v11;
	v14 =	vld.idx.msk [tilespmem:v6+s23+$0x0], $0xffff;
	v16 =	vshll.u32 v18, v2;
	v13 =	vshra.s32 v13, $0x18  }
0x17c: {  	v18 =	vld [tilespmem:s9+$0xFFFFFFF0];
	v17 =	vshra.s32 v16, $0x18;
	v13 =	vcvt.s32.f32 v13;
	v7 =	vmul.f32 v10, v7  }
0x17d: {  	v11 =	vshll.u32 v11, v2;
	v25 =	vld.idx.msk [tilespmem:v9+s23+$0x0], $0xffff;
	v20 =	vcvt.s32.f32 v17  }
0x17e: {  	s1 =	simm.s32 $0x8;
	v11 =	vshra.s32 v11, $0x18;
	v17 =	vld [tilespmem:s9+$0x10];
	v10 =	vor.u32 s8, v3;
	[tilespmem:v19+s25+$0x0] =	vst.idx.msk $0xffff, v7;
	v7 =	vmul.f32 v13, v15  }
0x17f: {  	v21 =	vmov s1;
	v11 =	vcvt.s32.f32 v11;
	v16 =	vld.idx.msk [tilespmem:v8+s23+$0x0], $0xffff;
	v26 =	vmul.f32 v20, v4  }
0x180: {  	v19 =	vld [tilespmem:s9+$0x0]  }
0x181: {  	s8 =	simm.s32 $0x9;
	v20 =	vld [tilespmem:s9+$0xFFFFFFE0];
	v4 =	vor.u32 s14, v3;
	v15 =	vmul.f32 v11, v5;
	[tilespmem:v23+s25+$0x0] =	vst.idx.msk $0xffff, v26  }
0x182: {  	s17 =	simm.s32 $0xC;
	s10 =	simm.s32 $0xB;
	v13 =	vmov s8;
	v11 =	vld.idx.msk [tilespmem:v22+s24+$0x0], $0xffff;
	v5 =	vor.u32 s15, v3;
	v22 =	vadd.s32 v1, v25;
	[tilespmem:v24+s25+$0x0] =	vst.idx.msk $0xffff, v7;
	v7 =	vmovc v21  }
.LBB2_20:
0x183: {  	p0 =	slt.u32 s17, $0x3FC;
	s14 =	sadd.s32 $0x2, s1;
	v14 =	vadd.s32 v1, v14;
	v17 =	vperm.xlane v17, v22;
	v22 =	vld.idx.msk [tilespmem:v9+s24+$0x0], $0xffff;
	v9 =	vmov s10;
	[tilespmem:v10+s25+$0x0] =	vst.idx.msk $0xffff, v15  }
0x184: {  	v15 =	vld.idx.msk [tilespmem:v21+s23+$0x0], $0xffff;
	v10 =	vmov s14;
	v18 =	vperm.xlane v18, v14;
	v14 =	vadd.s32 v1, v16  }
0x185: {  	v12 =	vadd.s32 v1, v12;
	v23 =	vld.idx.msk [tilespmem:v6+s24+$0x0], $0xffff;
	v16 =	vperm.xlane v19, v14;
	v14 =	vshll.u32 v17, v2  }
0x186: {  	v19 =	vor.u32 s2, v3;
	v6 =	vmovc v13;
	s2 =	smov.u32 s10;
	v12 =	vperm.xlane v20, v12;
	v20 =	vld.idx.msk [tilespmem:v8+s24+$0x0], $0xffff;
	v17 =	vshra.s32 v14, $0x18;
	v8 =	vmovc v10  }
0x187: {  	v14 =	vld.idx.msk [tilespmem:v13+s23+$0x0], $0xffff;
	v13 =	vshll.u32 v18, v2;
	v16 =	vshll.u32 v16, v2;
	v17 =	vcvt.s32.f32 v17  }
0x188: {  	v24 =	vld.idx.msk [tilespmem:v9+s23+$0x0], $0xffff;
	v21 =	vshll.u32 v12, v2;
	v13 =	vshra.s32 v13, $0x18;
	v18 =	vshra.s32 v16, $0x18  }
0x189: {  	s9 =	sadd.s32 $0x40, s9;
	v16 =	vld.idx.msk [tilespmem:v10+s23+$0x0], $0xffff;
	v10 =	vshra.s32 v21, $0x18;
	v13 =	vcvt.s32.f32 v13;
	v22 =	vmul.f32 v17, v22  }
.Ltmp9:
0x18a: {  	v26 =	vcvt.s32.f32 v18;
	v17 =	vld [tilespmem:s9+$0x10];
	v25 =	vcvt.s32.f32 v10;
	v10 =	vor.u32 s0, v3;
	v12 =	vmovc v15;
	s0 =	smov.u32 s1;
	s1 =	smov.u32 s17;
	(pc) =	sbr.rel @p0 .LBB2_20-.Ltmp9, $4  }
0x18b: {  	v21 =	vmov s17;
	v18 =	vld [tilespmem:s9+$0xFFFFFFF0];
	v13 =	vmul.f32 v13, v23;
	[tilespmem:v19+s25+$0x0] =	vst.idx.msk $0xffff, v22  }
0x18c: {  	v23 =	vmul.f32 v26, v20;
	v19 =	vld [tilespmem:s9+$0x0];
	v15 =	vmul.f32 v25, v11  }
0x18d: {  	v20 =	vld [tilespmem:s9+$0xFFFFFFE0];
	[tilespmem:v4+s25+$0x0] =	vst.idx.msk $0xffff, v13;
	v4 =	vor.u32 s8, v3;
	s8 =	sadd.s32 $0x1, s17  }
0x18e: {  	s10 =	sadd.s32 $0x3, s1;
	s17 =	sadd.s32 $0x4, s17;
	v22 =	vadd.s32 v1, v24;
	v13 =	vmov s8;
	v11 =	vld.idx.msk [tilespmem:v7+s24+$0x0], $0xffff;
	[tilespmem:v5+s25+$0x0] =	vst.idx.msk $0xffff, v23;
	v5 =	vor.u32 s14, v3;
	v7 =	vmovc v21  }
0x18f: {  	_ =	sdelay $0x3  }
0x190: {  	v9 =	vld.idx.msk [tilespmem:v9+s24+$0x0], $0xffff  }
0x191: {  	v21 =	vld.idx.msk [tilespmem:v21+s23+$0x0], $0xffff  }
0x192: {  	s14 =	sadd.s32 $0x2, s1;
	v23 =	vmov s10;
	v14 =	vadd.s32 v1, v14;
	v17 =	vperm.xlane v17, v22;
	v6 =	vld.idx.msk [tilespmem:v6+s24+$0x0], $0xffff  }
0x193: {  	v16 =	vadd.s32 v1, v16;
	v12 =	vadd.s32 v1, v12;
	v8 =	vld.idx.msk [tilespmem:v8+s24+$0x0], $0xffff;
	v24 =	vmov s14  }
0x194: {  	v43 =	vld.idx.msk [tilespmem:v13+s23+$0x0], $0xffff;
	s9 =	sadd.s32 $0x40, s9;
	v49 =	vor.u32 s2, v3;
	v51 =	vor.u32 s0, v3;
	v52 =	vor.u32 s8, v3  }
0x195: {  	v57 =	vor.u32 s10, v3;
	v62 =	vor.u32 s1, v3;
	v14 =	vperm.xlane v18, v14;
	v46 =	vld [tilespmem:s9+$0x10]  }
0x196: {  	v25 =	vld [tilespmem:s9+$0xFFFFFFF0];
	v53 =	vor.u32 s14, v3;
	v16 =	vperm.xlane v19, v16;
	v17 =	vshll.u32 v17, v2  }
0x197: {  	v12 =	vperm.xlane v20, v12;
	v17 =	vshra.s32 v17, $0x18;
	v14 =	vshll.u32 v14, v2;
	v44 =	vld.idx.msk [tilespmem:v23+s23+$0x0], $0xffff  }
0x198: {  	v16 =	vshll.u32 v16, v2;
	v17 =	vcvt.s32.f32 v17;
	v14 =	vshra.s32 v14, $0x18;
	v45 =	vld.idx.msk [tilespmem:v24+s23+$0x0], $0xffff  }
0x199: {  	v47 =	vld [tilespmem:s9+$0x0];
	v12 =	vshll.u32 v12, v2;
	v16 =	vshra.s32 v16, $0x18;
	v14 =	vcvt.s32.f32 v14  }
0x19a: {  	v48 =	vld [tilespmem:s9+$0xFFFFFFE0];
	v18 =	vadd.s32 v1, v43;
	v21 =	vadd.s32 v1, v21;
	v9 =	vmul.f32 v17, v9  }
0x19b: {  	v12 =	vshra.s32 v12, $0x18;
	v16 =	vcvt.s32.f32 v16;
	v18 =	vperm.xlane v25, v18  }
0x19c: {  	[tilespmem:v10+s25+$0x0] =	vst.idx.msk $0xffff, v15;
	v12 =	vcvt.s32.f32 v12;
	v6 =	vmul.f32 v14, v6;
	v50 =	vadd.s32 v1, v44  }
0x19d: {  	v54 =	vld.idx.msk [tilespmem:v13+s24+$0x0], $0xffff;
	v8 =	vmul.f32 v16, v8;
	v16 =	vperm.xlane v46, v50;
	v20 =	vadd.s32 v1, v45  }
0x19e: {  	v23 =	vld.idx.msk [tilespmem:v23+s24+$0x0], $0xffff;
	v18 =	vshll.u32 v18, v2;
	v11 =	vmul.f32 v12, v11;
	v17 =	vperm.xlane v47, v20  }
0x19f: {  	v56 =	vld.idx.msk [tilespmem:v24+s24+$0x0], $0xffff;
	v12 =	vperm.xlane v48, v21;
	v59 =	vshra.s32 v18, $0x18;
	v16 =	vshll.u32 v16, v2  }
0x1a0: {  	v7 =	vld.idx.msk [tilespmem:v7+s24+$0x0], $0xffff;
	[tilespmem:v49+s25+$0x0] =	vst.idx.msk $0xffff, v9;
	v61 =	vcvt.s32.f32 v59;
	v55 =	vshra.s32 v16, $0x18;
	v17 =	vshll.u32 v17, v2  }
0x1a1: {  	[tilespmem:v4+s25+$0x0] =	vst.idx.msk $0xffff, v6;
	v12 =	vshll.u32 v12, v2;
	v58 =	vcvt.s32.f32 v55;
	v4 =	vshra.s32 v17, $0x18  }
0x1a2: {  	[tilespmem:v5+s25+$0x0] =	vst.idx.msk $0xffff, v8;
	v60 =	vshra.s32 v12, $0x18;
	v63 =	vmul.f32 v61, v54;
	v4 =	vcvt.s32.f32 v4  }
0x1a3: {  	[tilespmem:v51+s25+$0x0] =	vst.idx.msk $0xffff, v11;
	v6 =	vcvt.s32.f32 v60;
	v5 =	vmul.f32 v58, v23  }
0x1a4: {  	[tilespmem:v52+s25+$0x0] =	vst.idx.msk $0xffff, v63;
	v4 =	vmul.f32 v4, v56  }
0x1a5: {  	[tilespmem:v57+s25+$0x0] =	vst.idx.msk $0xffff, v5;
	v5 =	vmul.f32 v6, v7  }
0x1a6: {  	[tilespmem:v53+s25+$0x0] =	vst.idx.msk $0xffff, v4  }
0x1a7: {  	[tilespmem:v62+s25+$0x0] =	vst.idx.msk $0xffff, v5  }
0x1a8: {  	s19 =	rddreg [dreg:$0x5]  }
0x1a9: {  	[hbm4b:s19+s13] =	stream.strided.scatter [tilespmem:s25], [sflag:$0x3], $0x4000, s26, s13, $0x38;
	[tilespmem:$0x16400] =	vst v63  }
0x1aa: {  	_ =	swait.ge [sflag:s29], $0x4000  }
0x1ab: {  	s20 =	rddreg [dreg:$0x7]  }
0x1ac: {  	s31 =	rddreg [dreg:$0x6];
	s1 =	sadd.s32 $0x1, s20  }
0x1ad: {  	p0 =	sne.s32 s1, s31  }
.Ltmp10:
0x1ae: {  	_ = 	snop;
	(pc) =	sbr.rel @p0 .LBB2_1-.Ltmp10, $3  }
0x1af: {  	_ =	sdelay $0x1  }
0x1b0: {  	[sflag:s29] =	ssyncset.done $0x0  }
0x1b1: {  	[sflag:s29] =	ssyncadd.s32 $0xFFFFC000  }
0x1b2: {  	_ =	sfence.sel $0x180000  }
0x1b3: {  	[bflag:$0x0] =	sbarrier.arrive $0xFFFF  }
0x1b4: {  	_ =	strace $0x90000047  }
0x1b5: {  	s0 =	stileid.u32;
	[bflag:$0x2] =	sbarrier.arrive $0xFFFF  }
0x1b6: {  	p0 =	sne.s32 s0, $0x0;
	s0 =	rddreg [dreg:$0x3]  }
0x1b7: {  	s0 =	sadd.s32 @!p0 $0x100000, s0  }
0x1b8: {  	[sflag:s0] =	ssyncadd.tile.s32 @!p0 $0x1;
	_ =	shalt  }
.Lfunc_end2:
_tile_overlayer_lowered:
.L_overlay_start_2:
0x1b9: {  	(tag) =	ssettag $0x2  }
0x1ba: {  	s0 =	rddreg [dreg:$0x0];
	s2 =	stileid.u32  }
0x1bb: {  	s1 =	rddreg [dreg:$0x1];
	p0 =	sne.s32 s2, $0x0  }
0x1bc: {  	s3 =	rddreg [dreg:$0x2];
	[bflag:$0x3] =	sbarrier.arrive $0xFFFF;
	s2 =	simm.s32 @!p0 $0x1C04  }
0x1bd: {  	[timem:s3], [sflag:s2] =	dma.local @!p0 [hbm:s0], s1  }
0x1be: {  	s0 =	simm.s32 @!p0 $0x4  }
0x1bf: {  	_ =	swait.ge @!p0 [sflag:s0], s1  }
0x1c0: {  	s1 =	ssub.s32 @!p0 $0x0, s1;
	[sflag:s0] =	ssyncset.done @!p0 $0x0  }
0x1c1: {  	[sflag:s0] =	ssyncadd.s32 @!p0 s1  }
0x1c2: {  	[bflag:$0x3] =	sbarrier.arrive $0xFFFF  }
0x1c3: {  	_ =	shalt  }

</sc_bundles>
